<compile_context>
chip_gen: v7x
topology: tpu7x:2x2x1
jax: 0.10.2.dev20260603
libtpu: 0.0.44.dev20260713+nightly
codegen_flags: <defaults>
</compile_context>

<pallas_src>
import functools

import jax
import jax.numpy as jnp
from jax import lax
from jax.experimental import pallas as pl
from jax.experimental.pallas import tpu as pltpu
from jax.experimental.pallas import tpu_sc as plsc

B, N, M, K = 4, 4096, 256, 16
RB = 256
NB = 512
NW = 32
N_PER_W = (B * N) // NW
CH = 256



def _topk_body(xq_ref, xt_ref, idx_ref):
    xq = xq_ref[0]
    xt = xt_ref[0]
    dot = jnp.dot(xq.astype(jnp.bfloat16), xt.astype(jnp.bfloat16),
                  preferred_element_type=jnp.float32)
    q0, q1, q2 = xq[:, 0:1], xq[:, 1:2], xq[:, 2:3]
    xq2 = (q0 * q0 + q1 * q1) + q2 * q2
    x0, x1, x2c = xt[0:1, :], xt[1:2, :], xt[2:3, :]
    x2 = (x0 * x0 + x1 * x1) + x2c * x2c
    d = (jnp.float32(-2.0) * dot + xq2) + x2
    colf = lax.broadcasted_iota(jnp.int32, (RB, N), 1).astype(jnp.float32)
    big = jnp.float32(3.0e38)
    cols = []
    for j in range(K):
        m = jnp.min(d, axis=1, keepdims=True)
        sel = jnp.where(d == m, colf, big)
        a = jnp.min(sel, axis=1, keepdims=True)
        cols.append(a)
        if j < K - 1:
            d = jnp.where(colf == a, big, d)
    idx_ref[0] = jnp.concatenate(cols, axis=1).astype(jnp.int32)


def _knn_idx(x_q, x):
    xt = jnp.transpose(x, (0, 2, 1))
    return pl.pallas_call(
        _topk_body,
        grid=(B, N // RB),
        in_specs=[
            pl.BlockSpec((1, RB, 3), lambda b, i: (b, i, 0)),
            pl.BlockSpec((1, 3, N), lambda b, i: (b, 0, 0)),
        ],
        out_specs=pl.BlockSpec((1, RB, K), lambda b, i: (b, i, 0)),
        out_shape=jax.ShapeDtypeStruct((B, N, K), jnp.int32),
    )(x_q, xt)



def _sqrt16(a):
    a = jnp.maximum(a, jnp.float32(1e-30))
    i = lax.bitcast_convert_type(a, jnp.int32)
    i = jnp.int32(0x5F3759DF) - (i >> 1)
    y = lax.bitcast_convert_type(i, jnp.float32)
    for _ in range(3):
        y = y * (jnp.float32(1.5) - jnp.float32(0.5) * a * y * y)
    return a * y


def _full16(v):
    return jnp.broadcast_to(v, (16,))


def _sc_feat_body(xq_hbm, x_hbm, map_hbm, anch_hbm, ad_hbm, idx_hbm, out_hbm,
                  x_v, xq_v, map_v, anch_v, ad_v, idx_v, da_v, feat_v):
    wid = lax.axis_index("s") * 2 + lax.axis_index("c")
    b = wid // (NW // B)
    n_base = (wid * N_PER_W) % N

    pltpu.sync_copy(x_hbm.at[b], x_v)
    pltpu.sync_copy(map_hbm.at[b], map_v)
    pltpu.sync_copy(anch_hbm.at[b], anch_v)
    pltpu.sync_copy(ad_hbm.at[b], ad_v)

    lanes = lax.iota(jnp.int32, 16)

    for ci in range(N_PER_W // CH):
        n0 = n_base + ci * CH
        pltpu.sync_copy(idx_hbm.at[b, pl.ds(n0, CH)], idx_v)
        pltpu.sync_copy(xq_hbm.at[b, pl.ds(n0 * 3, CH * 3)], xq_v)

        def da_body(g, _):
            rows = lanes + g * 16
            a16 = plsc.load_gather(map_v, [rows + n0])
            acc = None
            for c in range(3):
                xqc = plsc.load_gather(xq_v, [rows * 3 + c])
                aac = plsc.load_gather(anch_v, [a16 * 3 + c])
                t = xqc - aac
                acc = t * t if acc is None else acc + t * t
            da_v[pl.ds(g * 16, 16)] = _sqrt16(acc)
            return _

        lax.fori_loop(0, CH // 16, da_body, None)

        def n_body(n, _):
            idxk = idx_v[n, :]
            nb = []
            r1 = []
            for c in range(3):
                nbc = plsc.load_gather(x_v, [idxk * 3 + c])
                nb.append(nbc)
                xqc = plsc.load_gather(xq_v, [_full16(n * 3 + c)])
                r1.append(jnp.abs(xqc - nbc))
            bk = plsc.load_gather(map_v, [idxk])
            acc = None
            for c in range(3):
                abc = plsc.load_gather(anch_v, [bk * 3 + c])
                t = nb[c] - abc
                acc = t * t if acc is None else acc + t * t
            dnb = _sqrt16(acc)
            a16 = plsc.load_gather(map_v, [_full16(n + n0)])
            adab = plsc.load_gather(ad_v, [a16, bk])
            da16 = plsc.load_gather(da_v, [_full16(n)])
            r2 = da16 + adab + dnb
            feat_v[0, pl.ds(n * K, K)] = r1[0]
            feat_v[1, pl.ds(n * K, K)] = r1[1]
            feat_v[2, pl.ds(n * K, K)] = r1[2]
            feat_v[3, pl.ds(n * K, K)] = r2
            feat_v[4, pl.ds(n * K, K)] = r2
            feat_v[5, pl.ds(n * K, K)] = r2
            return _

        lax.fori_loop(0, CH, n_body, None)

        for c in range(6):
            pltpu.sync_copy(feat_v.at[c], out_hbm.at[b, c, pl.ds(n0 * K, CH * K)])


def _sc_feat(x_q, x, map_idx, anchor_points, anchor_dist, idx):
    mesh = plsc.VectorSubcoreMesh(core_axis_name="c", subcore_axis_name="s")
    fn = pl.kernel(
        _sc_feat_body, mesh=mesh,
        compiler_params=pltpu.CompilerParams(
            needs_layout_passes=False, use_tc_tiling_on_sc=False),
        out_type=jax.ShapeDtypeStruct((B, 6, N * K), jnp.float32),
        scratch_types=[
            pltpu.VMEM((N * 3,), jnp.float32),
            pltpu.VMEM((CH * 3,), jnp.float32),
            pltpu.VMEM((N,), jnp.int32),
            pltpu.VMEM((M * 3,), jnp.float32),
            pltpu.VMEM((M, M), jnp.float32),
            pltpu.VMEM((CH, K), jnp.int32),
            pltpu.VMEM((CH,), jnp.float32),
            pltpu.VMEM((6, CH * K), jnp.float32),
        ],
    )
    return fn(x_q.reshape(B, N * 3), x.reshape(B, N * 3), map_idx,
              anchor_points.reshape(B, M * 3), anchor_dist, idx)



def _mlp_body(feat_ref, w1_ref, w2_ref, w3_ref, wout_ref, lf_ref):
    f = feat_ref[0]
    h = jnp.maximum(jnp.dot(w1_ref[...], f, preferred_element_type=jnp.float32), 0.0)
    h = jnp.maximum(jnp.dot(w2_ref[...], h, preferred_element_type=jnp.float32), 0.0)
    w = jnp.dot(w3_ref[...], h, preferred_element_type=jnp.float32)
    wout_ref[0] = w
    m = w
    s = 1
    while s < K:
        m = jnp.maximum(m, jnp.concatenate([m[:, s:], m[:, :s]], axis=1))
        s *= 2
    rows = lax.broadcasted_iota(jnp.int32, (NB * K, NB), 0)
    cols = lax.broadcasted_iota(jnp.int32, (NB * K, NB), 1)
    sel = (rows == cols * K).astype(jnp.bfloat16)
    hi = m.astype(jnp.bfloat16)
    lo = (m - hi.astype(jnp.float32)).astype(jnp.bfloat16)
    lf = (jnp.dot(hi, sel, preferred_element_type=jnp.float32)
          + jnp.dot(lo, sel, preferred_element_type=jnp.float32))
    lf_ref[0] = lf


def _mlp(feat, W1, W2, W3):
    return pl.pallas_call(
        _mlp_body,
        grid=(B, N // NB),
        in_specs=[
            pl.BlockSpec((1, 6, NB * K), lambda b, i: (b, 0, i)),
            pl.BlockSpec((32, 6), lambda b, i: (0, 0)),
            pl.BlockSpec((64, 32), lambda b, i: (0, 0)),
            pl.BlockSpec((128, 64), lambda b, i: (0, 0)),
        ],
        out_specs=[
            pl.BlockSpec((1, 128, NB * K), lambda b, i: (b, 0, i)),
            pl.BlockSpec((1, 128, NB), lambda b, i: (b, 0, i)),
        ],
        out_shape=[
            jax.ShapeDtypeStruct((B, 128, N * K), jnp.float32),
            jax.ShapeDtypeStruct((B, 128, N), jnp.float32),
        ],
    )(feat, W1, W2, W3)


def kernel(x_q, x, fps_idx, anchor_points, map_idx, anchor_dist, W1, W2, W3):
    idx = _knn_idx(x_q, x)
    feat = _sc_feat(x_q, x, map_idx, anchor_points, anchor_dist, idx)
    wflat, lf = _mlp(feat, W1, W2, W3)
    return (jnp.transpose(lf, (0, 2, 1)), wflat.reshape(B, 128, N, K))

# --- scband reference (transcript-rebuilt; emitter-appended) ---
"""Pipeline reference for scband-local-geometric-relationship-perception-1967095021881 (READ-ONLY COPY).

The authoritative reference and input builder live on the scoring server;
editing this copy changes nothing except your own understanding.
"""

import jax, jax.numpy as jnp
import numpy as np

B, N, M, K = 4, 4096, 256, 16


def setup_inputs(seed: int = 0) -> dict:
    key = jax.random.key(seed)
    ks = jax.random.split(key, 10)
    x_q = jax.random.normal(ks[0], (B, N, 3), dtype=jnp.float32)
    x = jax.random.normal(ks[1], (B, N, 3), dtype=jnp.float32)
    fps_idx = jax.random.randint(ks[2], (B, N), 0, N)
    anchor_points = jax.random.normal(ks[3], (B, M, 3), dtype=jnp.float32)
    map_idx = jax.random.randint(ks[4], (B, N), 0, M)
    anchor_dist = jax.random.uniform(ks[5], (B, M, M), dtype=jnp.float32)
    W1 = jax.random.normal(ks[6], (32, 6), dtype=jnp.float32) * 0.1
    W2 = jax.random.normal(ks[7], (64, 32), dtype=jnp.float32) * 0.1
    W3 = jax.random.normal(ks[8], (128, 64), dtype=jnp.float32) * 0.1
    return {"x_q": x_q, "x": x, "fps_idx": fps_idx, "anchor_points": anchor_points,
            "map_idx": map_idx, "anchor_dist": anchor_dist, "W1": W1, "W2": W2, "W3": W3}


def reference(x_q, x, fps_idx, anchor_points, map_idx, anchor_dist, W1, W2, W3):
    k = K
    # square_distance(x_q, x): (B, n, n)
    sqr = (-2.0 * jnp.einsum('bnc,bmc->bnm', x_q, x)
           + jnp.sum(x_q ** 2, -1)[:, :, None]
           + jnp.sum(x ** 2, -1)[:, None, :])
    # knn: smallest k -> top_k of negated distances
    _, idx = jax.lax.top_k(-sqr, k)  # (B, n, k)
    # gather neighbor coordinates: (B, n, k, 3)
    neighbors = jax.vmap(lambda xb, ib: xb[ib])(x, idx)
    R1 = jnp.abs(x_q[:, :, None, :] - neighbors)  # (B, n, k, 3)
    A_idx_q = map_idx  # (B, n)
    B_idx = jax.vmap(lambda mi, ib: mi[ib])(map_idx, idx)  # (B, n, k)
    anchorA = jax.vmap(lambda ap, ai: ap[ai])(anchor_points, A_idx_q)  # (B, n, 3)
    anchorB = jax.vmap(lambda ap, bi: ap[bi])(anchor_points, B_idx)  # (B, n, k, 3)
    dist_xq_anchorA = jnp.linalg.norm(x_q - anchorA, axis=-1)  # (B, n)
    dist_neighbors_B = jnp.linalg.norm(neighbors - anchorB, axis=-1)  # (B, n, k)
    anchorDistAB = jax.vmap(lambda ad, ai, bi: ad[ai[:, None], bi])(anchor_dist, A_idx_q, B_idx)  # (B, n, k)
    R2_scalar = dist_xq_anchorA[..., None] + anchorDistAB + dist_neighbors_B  # (B, n, k)
    R2 = jnp.broadcast_to(R2_scalar[..., None], R2_scalar.shape + (3,))
    feat = jnp.concatenate([R1, R2], axis=-1)  # (B, n, k, 6)
    feat = jnp.transpose(feat, (0, 3, 1, 2))  # (B, 6, n, k)
    h = jax.nn.relu(jnp.einsum('oc,bcnk->bonk', W1, feat))
    h = jax.nn.relu(jnp.einsum('oc,bcnk->bonk', W2, h))
    weights = jnp.einsum('oc,bcnk->bonk', W3, h)  # (B, 128, n, k)
    local_features = jnp.max(weights, axis=-1)  # (B, 128, n)
    return (jnp.transpose(local_features, (0, 2, 1)), weights)

if __name__ == "__main__":
    import jax
    _d = setup_inputs()
    print(jax.jit(kernel)(*tuple(_d.values())))

</pallas_src>

<mosaic_0001>
#map = affine_map<(d0, d1) -> (0, 0)>
#map1 = affine_map<(d0, d1) -> (0, 0, 0)>
module attributes {stable_mosaic.version = 14 : i64} {
  func.func @_sc_feat_body(%arg0: i32, %arg1: i32, %arg2: memref<4x12288xf32, #tpu.memory_space<hbm>>, %arg3: memref<4x12288xf32, #tpu.memory_space<hbm>>, %arg4: memref<4x4096xi32, #tpu.memory_space<hbm>>, %arg5: memref<4x768xf32, #tpu.memory_space<hbm>>, %arg6: memref<4x256x256xf32, #tpu.memory_space<hbm>>, %arg7: memref<4x4096x16xi32, #tpu.memory_space<hbm>>, %arg8: memref<4x6x65536xf32, #tpu.memory_space<hbm>>, %arg9: memref<12288xf32, #tpu.memory_space<vmem>>, %arg10: memref<768xf32, #tpu.memory_space<vmem>>, %arg11: memref<4096xi32, #tpu.memory_space<vmem>>, %arg12: memref<768xf32, #tpu.memory_space<vmem>>, %arg13: memref<256x256xf32, #tpu.memory_space<vmem>>, %arg14: memref<256x16xi32, #tpu.memory_space<vmem>>, %arg15: memref<256xf32, #tpu.memory_space<vmem>>, %arg16: memref<6x4096xf32, #tpu.memory_space<vmem>>) attributes {dimension_semantics = [#tpu.dimension_semantics<core_parallel>, #tpu.dimension_semantics<subcore_parallel>], iteration_bounds = array<i64: 2, 16>, scalar_prefetch = 0 : i64, scratch_operands = 8 : i64, tpu.core_type = #tpu.core_type<sc_vector_subcore>, window_params = [{transform_indices = #map}, {transform_indices = #map}, {transform_indices = #map}, {transform_indices = #map}, {transform_indices = #map1}, {transform_indices = #map1}, {transform_indices = #map1}]} {
    %mul3A = arith.constant 2 : i32
    %mul3A_0 = arith.muli %arg1, %mul3A : i32
    %add3A = arith.addi %mul3A_0, %arg0 : i32
    %jit3A = arith.constant 8 : i32
    %div3A = arith.divsi %add3A, %jit3A : i32
    %sign3A = arith.constant 0 : i32
    %sign3A_1 = arith.cmpi sgt, %add3A, %sign3A : i32
    %sign3A_2 = arith.extui %sign3A_1 : i1 to i32
    %sign3A_3 = arith.constant 0 : i32
    %sign3A_4 = arith.cmpi slt, %add3A, %sign3A_3 : i32
    %sign3A_5 = arith.extui %sign3A_4 : i1 to i32
    %sign3A_6 = arith.subi %sign3A_2, %sign3A_5 : i32
    %sign3A_7 = arith.constant 0 : i32
    %sign3A_8 = arith.cmpi sgt, %jit3A, %sign3A_7 : i32
    %sign3A_9 = arith.extui %sign3A_8 : i1 to i32
    %sign3A_10 = arith.constant 0 : i32
    %sign3A_11 = arith.cmpi slt, %jit3A, %sign3A_10 : i32
    %sign3A_12 = arith.extui %sign3A_11 : i1 to i32
    %sign3A_13 = arith.subi %sign3A_9, %sign3A_12 : i32
    %ne3A = arith.cmpi ne, %sign3A_6, %sign3A_13 : i32
    %rem3A = arith.remsi %add3A, %jit3A : i32
    %ne3A_14 = arith.constant 0 : i32
    %ne3A_15 = arith.cmpi ne, %rem3A, %ne3A_14 : i32
    %and3A = arith.andi %ne3A, %ne3A_15 : i1
    %sub3A = arith.constant 1 : i32
    %sub3A_16 = arith.subi %div3A, %sub3A : i32
    %select_n3A = arith.select %and3A, %sub3A_16, %div3A : i32
    %mul3A_17 = arith.constant 512 : i32
    %mul3A_18 = arith.muli %add3A, %mul3A_17 : i32
    %jit3A_19 = arith.constant 4096 : i32
    %eq3A = arith.constant 0 : i32
    %eq3A_20 = arith.cmpi eq, %jit3A_19, %eq3A : i32
    %jit3A_21 = arith.constant 1 : i32
    %select_n3A_22 = arith.select %eq3A_20, %jit3A_21, %jit3A_19 : i32
    %rem3A_23 = arith.remsi %mul3A_18, %select_n3A_22 : i32
    %ne3A_24 = arith.constant 0 : i32
    %ne3A_25 = arith.cmpi ne, %rem3A_23, %ne3A_24 : i32
    %lt3A = arith.constant 0 : i32
    %lt3A_26 = arith.cmpi slt, %rem3A_23, %lt3A : i32
    %lt3A_27 = arith.constant 0 : i32
    %lt3A_28 = arith.cmpi slt, %select_n3A_22, %lt3A_27 : i32
    %ne3A_29 = arith.xori %lt3A_26, %lt3A_28 : i1
    %and3A_30 = arith.andi %ne3A_29, %ne3A_25 : i1
    %add3A_31 = arith.addi %rem3A_23, %select_n3A_22 : i32
    %select_n3A_32 = arith.select %and3A_30, %add3A_31, %rem3A_23 : i32
    "tpu.region"() ({
      %run_scoped3A_107 = tpu.sem_alloc : memref<!tpu.dma_semaphore, #tpu.memory_space<semaphore_mem>>
      %dma_start3A = arith.constant 0 : i32
      %dma_start3A_108 = tpu.memref_slice %arg3[%select_n3A, %dma_start3A] : memref<4x12288xf32, #tpu.memory_space<hbm>> -> memref<1x12288xf32, #tpu.memory_space<hbm>>
      %dma_start3A_109 = tpu.memref_squeeze %dma_start3A_108 : memref<1x12288xf32, #tpu.memory_space<hbm>> -> memref<12288xf32, #tpu.memory_space<hbm>>
      %dma_start3A_110 = arith.constant 0 : i32
      %dma_start3A_111 = tpu.memref_slice %arg3[%select_n3A, %dma_start3A_110] : memref<4x12288xf32, #tpu.memory_space<hbm>> -> memref<1x12288xf32, #tpu.memory_space<hbm>>
      %dma_start3A_112 = tpu.memref_squeeze %dma_start3A_111 : memref<1x12288xf32, #tpu.memory_space<hbm>> -> memref<12288xf32, #tpu.memory_space<hbm>>
      tpu.enqueue_dma source(%dma_start3A_112 : memref<12288xf32, #tpu.memory_space<hbm>>) target(%arg9 : memref<12288xf32, #tpu.memory_space<vmem>>) target_semaphore(%run_scoped3A_107 : memref<!tpu.dma_semaphore, #tpu.memory_space<semaphore_mem>>)
      %dma_wait3A = arith.constant 0 : i32
      %dma_wait3A_113 = tpu.memref_slice %arg3[%select_n3A, %dma_wait3A] : memref<4x12288xf32, #tpu.memory_space<hbm>> -> memref<1x12288xf32, #tpu.memory_space<hbm>>
      %dma_wait3A_114 = tpu.memref_squeeze %dma_wait3A_113 : memref<1x12288xf32, #tpu.memory_space<hbm>> -> memref<12288xf32, #tpu.memory_space<hbm>>
      %dma_wait3A_115 = arith.constant 0 : i32
      %dma_wait3A_116 = tpu.memref_slice %arg3[%select_n3A, %dma_wait3A_115] : memref<4x12288xf32, #tpu.memory_space<hbm>> -> memref<1x12288xf32, #tpu.memory_space<hbm>>
      %dma_wait3A_117 = tpu.memref_squeeze %dma_wait3A_116 : memref<1x12288xf32, #tpu.memory_space<hbm>> -> memref<12288xf32, #tpu.memory_space<hbm>>
      tpu.wait_dma2 semaphore(%run_scoped3A_107 : memref<!tpu.dma_semaphore, #tpu.memory_space<semaphore_mem>>) src(%dma_wait3A_117 : memref<12288xf32, #tpu.memory_space<hbm>>) dst(%arg9 : memref<12288xf32, #tpu.memory_space<vmem>>)
      tpu.yield
    }) : () -> ()
    "tpu.region"() ({
      %run_scoped3A_107 = tpu.sem_alloc : memref<!tpu.dma_semaphore, #tpu.memory_space<semaphore_mem>>
      %dma_start3A = arith.constant 0 : i32
      %dma_start3A_108 = tpu.memref_slice %arg4[%select_n3A, %dma_start3A] : memref<4x4096xi32, #tpu.memory_space<hbm>> -> memref<1x4096xi32, #tpu.memory_space<hbm>>
      %dma_start3A_109 = tpu.memref_squeeze %dma_start3A_108 : memref<1x4096xi32, #tpu.memory_space<hbm>> -> memref<4096xi32, #tpu.memory_space<hbm>>
      %dma_start3A_110 = arith.constant 0 : i32
      %dma_start3A_111 = tpu.memref_slice %arg4[%select_n3A, %dma_start3A_110] : memref<4x4096xi32, #tpu.memory_space<hbm>> -> memref<1x4096xi32, #tpu.memory_space<hbm>>
      %dma_start3A_112 = tpu.memref_squeeze %dma_start3A_111 : memref<1x4096xi32, #tpu.memory_space<hbm>> -> memref<4096xi32, #tpu.memory_space<hbm>>
      tpu.enqueue_dma source(%dma_start3A_112 : memref<4096xi32, #tpu.memory_space<hbm>>) target(%arg11 : memref<4096xi32, #tpu.memory_space<vmem>>) target_semaphore(%run_scoped3A_107 : memref<!tpu.dma_semaphore, #tpu.memory_space<semaphore_mem>>)
      %dma_wait3A = arith.constant 0 : i32
      %dma_wait3A_113 = tpu.memref_slice %arg4[%select_n3A, %dma_wait3A] : memref<4x4096xi32, #tpu.memory_space<hbm>> -> memref<1x4096xi32, #tpu.memory_space<hbm>>
      %dma_wait3A_114 = tpu.memref_squeeze %dma_wait3A_113 : memref<1x4096xi32, #tpu.memory_space<hbm>> -> memref<4096xi32, #tpu.memory_space<hbm>>
      %dma_wait3A_115 = arith.constant 0 : i32
      %dma_wait3A_116 = tpu.memref_slice %arg4[%select_n3A, %dma_wait3A_115] : memref<4x4096xi32, #tpu.memory_space<hbm>> -> memref<1x4096xi32, #tpu.memory_space<hbm>>
      %dma_wait3A_117 = tpu.memref_squeeze %dma_wait3A_116 : memref<1x4096xi32, #tpu.memory_space<hbm>> -> memref<4096xi32, #tpu.memory_space<hbm>>
      tpu.wait_dma2 semaphore(%run_scoped3A_107 : memref<!tpu.dma_semaphore, #tpu.memory_space<semaphore_mem>>) src(%dma_wait3A_117 : memref<4096xi32, #tpu.memory_space<hbm>>) dst(%arg11 : memref<4096xi32, #tpu.memory_space<vmem>>)
      tpu.yield
    }) : () -> ()
    "tpu.region"() ({
      %run_scoped3A_107 = tpu.sem_alloc : memref<!tpu.dma_semaphore, #tpu.memory_space<semaphore_mem>>
      %dma_start3A = arith.constant 0 : i32
      %dma_start3A_108 = tpu.memref_slice %arg5[%select_n3A, %dma_start3A] : memref<4x768xf32, #tpu.memory_space<hbm>> -> memref<1x768xf32, #tpu.memory_space<hbm>>
      %dma_start3A_109 = tpu.memref_squeeze %dma_start3A_108 : memref<1x768xf32, #tpu.memory_space<hbm>> -> memref<768xf32, #tpu.memory_space<hbm>>
      %dma_start3A_110 = arith.constant 0 : i32
      %dma_start3A_111 = tpu.memref_slice %arg5[%select_n3A, %dma_start3A_110] : memref<4x768xf32, #tpu.memory_space<hbm>> -> memref<1x768xf32, #tpu.memory_space<hbm>>
      %dma_start3A_112 = tpu.memref_squeeze %dma_start3A_111 : memref<1x768xf32, #tpu.memory_space<hbm>> -> memref<768xf32, #tpu.memory_space<hbm>>
      tpu.enqueue_dma source(%dma_start3A_112 : memref<768xf32, #tpu.memory_space<hbm>>) target(%arg12 : memref<768xf32, #tpu.memory_space<vmem>>) target_semaphore(%run_scoped3A_107 : memref<!tpu.dma_semaphore, #tpu.memory_space<semaphore_mem>>)
      %dma_wait3A = arith.constant 0 : i32
      %dma_wait3A_113 = tpu.memref_slice %arg5[%select_n3A, %dma_wait3A] : memref<4x768xf32, #tpu.memory_space<hbm>> -> memref<1x768xf32, #tpu.memory_space<hbm>>
      %dma_wait3A_114 = tpu.memref_squeeze %dma_wait3A_113 : memref<1x768xf32, #tpu.memory_space<hbm>> -> memref<768xf32, #tpu.memory_space<hbm>>
      %dma_wait3A_115 = arith.constant 0 : i32
      %dma_wait3A_116 = tpu.memref_slice %arg5[%select_n3A, %dma_wait3A_115] : memref<4x768xf32, #tpu.memory_space<hbm>> -> memref<1x768xf32, #tpu.memory_space<hbm>>
      %dma_wait3A_117 = tpu.memref_squeeze %dma_wait3A_116 : memref<1x768xf32, #tpu.memory_space<hbm>> -> memref<768xf32, #tpu.memory_space<hbm>>
      tpu.wait_dma2 semaphore(%run_scoped3A_107 : memref<!tpu.dma_semaphore, #tpu.memory_space<semaphore_mem>>) src(%dma_wait3A_117 : memref<768xf32, #tpu.memory_space<hbm>>) dst(%arg12 : memref<768xf32, #tpu.memory_space<vmem>>)
      tpu.yield
    }) : () -> ()
    "tpu.region"() ({
      %run_scoped3A_107 = tpu.sem_alloc : memref<!tpu.dma_semaphore, #tpu.memory_space<semaphore_mem>>
      %dma_start3A = arith.constant 0 : i32
      %dma_start3A_108 = arith.constant 0 : i32
      %dma_start3A_109 = tpu.memref_slice %arg6[%select_n3A, %dma_start3A, %dma_start3A_108] : memref<4x256x256xf32, #tpu.memory_space<hbm>> -> memref<1x256x256xf32, #tpu.memory_space<hbm>>
      %dma_start3A_110 = tpu.memref_squeeze %dma_start3A_109 : memref<1x256x256xf32, #tpu.memory_space<hbm>> -> memref<256x256xf32, #tpu.memory_space<hbm>>
      %dma_start3A_111 = arith.constant 0 : i32
      %dma_start3A_112 = arith.constant 0 : i32
      %dma_start3A_113 = tpu.memref_slice %arg6[%select_n3A, %dma_start3A_111, %dma_start3A_112] : memref<4x256x256xf32, #tpu.memory_space<hbm>> -> memref<1x256x256xf32, #tpu.memory_space<hbm>>
      %dma_start3A_114 = tpu.memref_squeeze %dma_start3A_113 : memref<1x256x256xf32, #tpu.memory_space<hbm>> -> memref<256x256xf32, #tpu.memory_space<hbm>>
      tpu.enqueue_dma source(%dma_start3A_114 : memref<256x256xf32, #tpu.memory_space<hbm>>) target(%arg13 : memref<256x256xf32, #tpu.memory_space<vmem>>) target_semaphore(%run_scoped3A_107 : memref<!tpu.dma_semaphore, #tpu.memory_space<semaphore_mem>>)
      %dma_wait3A = arith.constant 0 : i32
      %dma_wait3A_115 = arith.constant 0 : i32
      %dma_wait3A_116 = tpu.memref_slice %arg6[%select_n3A, %dma_wait3A, %dma_wait3A_115] : memref<4x256x256xf32, #tpu.memory_space<hbm>> -> memref<1x256x256xf32, #tpu.memory_space<hbm>>
      %dma_wait3A_117 = tpu.memref_squeeze %dma_wait3A_116 : memref<1x256x256xf32, #tpu.memory_space<hbm>> -> memref<256x256xf32, #tpu.memory_space<hbm>>
      %dma_wait3A_118 = arith.constant 0 : i32
      %dma_wait3A_119 = arith.constant 0 : i32
      %dma_wait3A_120 = tpu.memref_slice %arg6[%select_n3A, %dma_wait3A_118, %dma_wait3A_119] : memref<4x256x256xf32, #tpu.memory_space<hbm>> -> memref<1x256x256xf32, #tpu.memory_space<hbm>>
      %dma_wait3A_121 = tpu.memref_squeeze %dma_wait3A_120 : memref<1x256x256xf32, #tpu.memory_space<hbm>> -> memref<256x256xf32, #tpu.memory_space<hbm>>
      tpu.wait_dma2 semaphore(%run_scoped3A_107 : memref<!tpu.dma_semaphore, #tpu.memory_space<semaphore_mem>>) src(%dma_wait3A_121 : memref<256x256xf32, #tpu.memory_space<hbm>>) dst(%arg13 : memref<256x256xf32, #tpu.memory_space<vmem>>)
      tpu.yield
    }) : () -> ()
    %iota3A = tpu.iota {dimensions = array<i32: 0>} : vector<16xi32>
    %add3A_33 = arith.constant 0 : i32
    %add3A_34 = arith.addi %select_n3A_32, %add3A_33 : i32
    "tpu.region"() ({
      %run_scoped3A_107 = tpu.sem_alloc : memref<!tpu.dma_semaphore, #tpu.memory_space<semaphore_mem>>
      %dma_start3A = arith.constant 0 : i32
      %dma_start3A_108 = tpu.memref_slice %arg7[%select_n3A, %add3A_34, %dma_start3A] : memref<4x4096x16xi32, #tpu.memory_space<hbm>> -> memref<1x256x16xi32, #tpu.memory_space<hbm>>
      %dma_start3A_109 = tpu.memref_squeeze %dma_start3A_108 : memref<1x256x16xi32, #tpu.memory_space<hbm>> -> memref<256x16xi32, #tpu.memory_space<hbm>>
      %dma_start3A_110 = arith.constant 0 : i32
      %dma_start3A_111 = tpu.memref_slice %arg7[%select_n3A, %add3A_34, %dma_start3A_110] : memref<4x4096x16xi32, #tpu.memory_space<hbm>> -> memref<1x256x16xi32, #tpu.memory_space<hbm>>
      %dma_start3A_112 = tpu.memref_squeeze %dma_start3A_111 : memref<1x256x16xi32, #tpu.memory_space<hbm>> -> memref<256x16xi32, #tpu.memory_space<hbm>>
      tpu.enqueue_dma source(%dma_start3A_112 : memref<256x16xi32, #tpu.memory_space<hbm>>) target(%arg14 : memref<256x16xi32, #tpu.memory_space<vmem>>) target_semaphore(%run_scoped3A_107 : memref<!tpu.dma_semaphore, #tpu.memory_space<semaphore_mem>>)
      %dma_wait3A = arith.constant 0 : i32
      %dma_wait3A_113 = tpu.memref_slice %arg7[%select_n3A, %add3A_34, %dma_wait3A] : memref<4x4096x16xi32, #tpu.memory_space<hbm>> -> memref<1x256x16xi32, #tpu.memory_space<hbm>>
      %dma_wait3A_114 = tpu.memref_squeeze %dma_wait3A_113 : memref<1x256x16xi32, #tpu.memory_space<hbm>> -> memref<256x16xi32, #tpu.memory_space<hbm>>
      %dma_wait3A_115 = arith.constant 0 : i32
      %dma_wait3A_116 = tpu.memref_slice %arg7[%select_n3A, %add3A_34, %dma_wait3A_115] : memref<4x4096x16xi32, #tpu.memory_space<hbm>> -> memref<1x256x16xi32, #tpu.memory_space<hbm>>
      %dma_wait3A_117 = tpu.memref_squeeze %dma_wait3A_116 : memref<1x256x16xi32, #tpu.memory_space<hbm>> -> memref<256x16xi32, #tpu.memory_space<hbm>>
      tpu.wait_dma2 semaphore(%run_scoped3A_107 : memref<!tpu.dma_semaphore, #tpu.memory_space<semaphore_mem>>) src(%dma_wait3A_117 : memref<256x16xi32, #tpu.memory_space<hbm>>) dst(%arg14 : memref<256x16xi32, #tpu.memory_space<vmem>>)
      tpu.yield
    }) : () -> ()
    %mul3A_35 = arith.constant 3 : i32
    %mul3A_36 = arith.muli %add3A_34, %mul3A_35 : i32
    "tpu.region"() ({
      %run_scoped3A_107 = tpu.sem_alloc : memref<!tpu.dma_semaphore, #tpu.memory_space<semaphore_mem>>
      %dma_start3A = tpu.memref_slice %arg2[%select_n3A, %mul3A_36] : memref<4x12288xf32, #tpu.memory_space<hbm>> -> memref<1x768xf32, #tpu.memory_space<hbm>>
      %dma_start3A_108 = tpu.memref_squeeze %dma_start3A : memref<1x768xf32, #tpu.memory_space<hbm>> -> memref<768xf32, #tpu.memory_space<hbm>>
      %dma_start3A_109 = tpu.memref_slice %arg2[%select_n3A, %mul3A_36] : memref<4x12288xf32, #tpu.memory_space<hbm>> -> memref<1x768xf32, #tpu.memory_space<hbm>>
      %dma_start3A_110 = tpu.memref_squeeze %dma_start3A_109 : memref<1x768xf32, #tpu.memory_space<hbm>> -> memref<768xf32, #tpu.memory_space<hbm>>
      tpu.enqueue_dma source(%dma_start3A_110 : memref<768xf32, #tpu.memory_space<hbm>>) target(%arg10 : memref<768xf32, #tpu.memory_space<vmem>>) target_semaphore(%run_scoped3A_107 : memref<!tpu.dma_semaphore, #tpu.memory_space<semaphore_mem>>)
      %dma_wait3A = tpu.memref_slice %arg2[%select_n3A, %mul3A_36] : memref<4x12288xf32, #tpu.memory_space<hbm>> -> memref<1x768xf32, #tpu.memory_space<hbm>>
      %dma_wait3A_111 = tpu.memref_squeeze %dma_wait3A : memref<1x768xf32, #tpu.memory_space<hbm>> -> memref<768xf32, #tpu.memory_space<hbm>>
      %dma_wait3A_112 = tpu.memref_slice %arg2[%select_n3A, %mul3A_36] : memref<4x12288xf32, #tpu.memory_space<hbm>> -> memref<1x768xf32, #tpu.memory_space<hbm>>
      %dma_wait3A_113 = tpu.memref_squeeze %dma_wait3A_112 : memref<1x768xf32, #tpu.memory_space<hbm>> -> memref<768xf32, #tpu.memory_space<hbm>>
      tpu.wait_dma2 semaphore(%run_scoped3A_107 : memref<!tpu.dma_semaphore, #tpu.memory_space<semaphore_mem>>) src(%dma_wait3A_113 : memref<768xf32, #tpu.memory_space<hbm>>) dst(%arg10 : memref<768xf32, #tpu.memory_space<vmem>>)
      tpu.yield
    }) : () -> ()
    %scan3A = arith.constant 0 : i32
    %scan3A_37 = arith.constant 16 : i32
    %scan3A_38 = arith.addi %scan3A, %scan3A_37 : i32
    %scan3A_39 = arith.constant 1 : i32
    scf.for %scan3A_107 = %scan3A to %scan3A_38 step %scan3A_39  : i32 {
      %mul3A_108 = arith.constant 16 : i32
      %mul3A_109 = arith.muli %scan3A_107, %mul3A_108 : i32
      %add3A_110 = vector.broadcast %mul3A_109 : i32 to vector<16xi32>
      %add3A_111 = arith.addi %iota3A, %add3A_110 : vector<16xi32>
      %add3A_112 = vector.broadcast %add3A_34 : i32 to vector<16xi32>
      %add3A_113 = arith.addi %add3A_111, %add3A_112 : vector<16xi32>
      %gather3A = tpu.vector_load_idx %arg11[%add3A_113] : memref<4096xi32, #tpu.memory_space<vmem>>[vector<16xi32>], vector<16xi32>,
      %mul3A_114 = arith.constant 3 : i32
      %mul3A_115 = vector.broadcast %mul3A_114 : i32 to vector<16xi32>
      %mul3A_116 = arith.muli %add3A_111, %mul3A_115 : vector<16xi32>
      %add3A_117 = arith.constant 0 : i32
      %add3A_118 = vector.broadcast %add3A_117 : i32 to vector<16xi32>
      %add3A_119 = arith.addi %mul3A_116, %add3A_118 : vector<16xi32>
      %gather3A_120 = tpu.vector_load_idx %arg10[%add3A_119] : memref<768xf32, #tpu.memory_space<vmem>>[vector<16xi32>], vector<16xf32>,
      %mul3A_121 = arith.constant 3 : i32
      %mul3A_122 = vector.broadcast %mul3A_121 : i32 to vector<16xi32>
      %mul3A_123 = arith.muli %gather3A, %mul3A_122 : vector<16xi32>
      %add3A_124 = arith.constant 0 : i32
      %add3A_125 = vector.broadcast %add3A_124 : i32 to vector<16xi32>
      %add3A_126 = arith.addi %mul3A_123, %add3A_125 : vector<16xi32>
      %gather3A_127 = tpu.vector_load_idx %arg12[%add3A_126] : memref<768xf32, #tpu.memory_space<vmem>>[vector<16xi32>], vector<16xf32>,
      %sub3A_128 = arith.subf %gather3A_120, %gather3A_127 : vector<16xf32>
      %mul3A_129 = arith.mulf %sub3A_128, %sub3A_128 : vector<16xf32>
      %mul3A_130 = arith.constant 3 : i32
      %mul3A_131 = vector.broadcast %mul3A_130 : i32 to vector<16xi32>
      %mul3A_132 = arith.muli %add3A_111, %mul3A_131 : vector<16xi32>
      %add3A_133 = arith.constant 1 : i32
      %add3A_134 = vector.broadcast %add3A_133 : i32 to vector<16xi32>
      %add3A_135 = arith.addi %mul3A_132, %add3A_134 : vector<16xi32>
      %gather3A_136 = tpu.vector_load_idx %arg10[%add3A_135] : memref<768xf32, #tpu.memory_space<vmem>>[vector<16xi32>], vector<16xf32>,
      %mul3A_137 = arith.constant 3 : i32
      %mul3A_138 = vector.broadcast %mul3A_137 : i32 to vector<16xi32>
      %mul3A_139 = arith.muli %gather3A, %mul3A_138 : vector<16xi32>
      %add3A_140 = arith.constant 1 : i32
      %add3A_141 = vector.broadcast %add3A_140 : i32 to vector<16xi32>
      %add3A_142 = arith.addi %mul3A_139, %add3A_141 : vector<16xi32>
      %gather3A_143 = tpu.vector_load_idx %arg12[%add3A_142] : memref<768xf32, #tpu.memory_space<vmem>>[vector<16xi32>], vector<16xf32>,
      %sub3A_144 = arith.subf %gather3A_136, %gather3A_143 : vector<16xf32>
      %mul3A_145 = arith.mulf %sub3A_144, %sub3A_144 : vector<16xf32>
      %add3A_146 = arith.addf %mul3A_129, %mul3A_145 : vector<16xf32>
      %mul3A_147 = arith.constant 3 : i32
      %mul3A_148 = vector.broadcast %mul3A_147 : i32 to vector<16xi32>
      %mul3A_149 = arith.muli %add3A_111, %mul3A_148 : vector<16xi32>
      %add3A_150 = arith.constant 2 : i32
      %add3A_151 = vector.broadcast %add3A_150 : i32 to vector<16xi32>
      %add3A_152 = arith.addi %mul3A_149, %add3A_151 : vector<16xi32>
      %gather3A_153 = tpu.vector_load_idx %arg10[%add3A_152] : memref<768xf32, #tpu.memory_space<vmem>>[vector<16xi32>], vector<16xf32>,
      %mul3A_154 = arith.constant 3 : i32
      %mul3A_155 = vector.broadcast %mul3A_154 : i32 to vector<16xi32>
      %mul3A_156 = arith.muli %gather3A, %mul3A_155 : vector<16xi32>
      %add3A_157 = arith.constant 2 : i32
      %add3A_158 = vector.broadcast %add3A_157 : i32 to vector<16xi32>
      %add3A_159 = arith.addi %mul3A_156, %add3A_158 : vector<16xi32>
      %gather3A_160 = tpu.vector_load_idx %arg12[%add3A_159] : memref<768xf32, #tpu.memory_space<vmem>>[vector<16xi32>], vector<16xf32>,
      %sub3A_161 = arith.subf %gather3A_153, %gather3A_160 : vector<16xf32>
      %mul3A_162 = arith.mulf %sub3A_161, %sub3A_161 : vector<16xf32>
      %add3A_163 = arith.addf %add3A_146, %mul3A_162 : vector<16xf32>
      %max3A = arith.constant 1.000000e-30 : f32
      %max3A_164 = vector.broadcast %max3A : f32 to vector<16xf32>
      %max3A_165 = arith.maximumf %add3A_163, %max3A_164 : vector<16xf32>
      %bitcast_convert_type3A = tpu.bitcast %max3A_165 : vector<16xf32> -> vector<16xi32>
      %shift_right_arithmetic3A = arith.constant 1 : i32
      %shift_right_arithmetic3A_166 = vector.broadcast %shift_right_arithmetic3A : i32 to vector<16xi32>
      %shift_right_arithmetic3A_167 = arith.shrsi %bitcast_convert_type3A, %shift_right_arithmetic3A_166 : vector<16xi32>
      %sub3A_168 = arith.constant 1597463007 : i32
      %sub3A_169 = vector.broadcast %sub3A_168 : i32 to vector<16xi32>
      %sub3A_170 = arith.subi %sub3A_169, %shift_right_arithmetic3A_167 : vector<16xi32>
      %bitcast_convert_type3A_171 = tpu.bitcast %sub3A_170 : vector<16xi32> -> vector<16xf32>
      %mul3A_172 = arith.constant 5.000000e-01 : f32
      %mul3A_173 = vector.broadcast %mul3A_172 : f32 to vector<16xf32>
      %mul3A_174 = arith.mulf %mul3A_173, %max3A_165 : vector<16xf32>
      %mul3A_175 = arith.mulf %mul3A_174, %bitcast_convert_type3A_171 : vector<16xf32>
      %mul3A_176 = arith.mulf %mul3A_175, %bitcast_convert_type3A_171 : vector<16xf32>
      %sub3A_177 = arith.constant 1.500000e+00 : f32
      %sub3A_178 = vector.broadcast %sub3A_177 : f32 to vector<16xf32>
      %sub3A_179 = arith.subf %sub3A_178, %mul3A_176 : vector<16xf32>
      %mul3A_180 = arith.mulf %bitcast_convert_type3A_171, %sub3A_179 : vector<16xf32>
      %mul3A_181 = arith.constant 5.000000e-01 : f32
      %mul3A_182 = vector.broadcast %mul3A_181 : f32 to vector<16xf32>
      %mul3A_183 = arith.mulf %mul3A_182, %max3A_165 : vector<16xf32>
      %mul3A_184 = arith.mulf %mul3A_183, %mul3A_180 : vector<16xf32>
      %mul3A_185 = arith.mulf %mul3A_184, %mul3A_180 : vector<16xf32>
      %sub3A_186 = arith.constant 1.500000e+00 : f32
      %sub3A_187 = vector.broadcast %sub3A_186 : f32 to vector<16xf32>
      %sub3A_188 = arith.subf %sub3A_187, %mul3A_185 : vector<16xf32>
      %mul3A_189 = arith.mulf %mul3A_180, %sub3A_188 : vector<16xf32>
      %mul3A_190 = arith.constant 5.000000e-01 : f32
      %mul3A_191 = vector.broadcast %mul3A_190 : f32 to vector<16xf32>
      %mul3A_192 = arith.mulf %mul3A_191, %max3A_165 : vector<16xf32>
      %mul3A_193 = arith.mulf %mul3A_192, %mul3A_189 : vector<16xf32>
      %mul3A_194 = arith.mulf %mul3A_193, %mul3A_189 : vector<16xf32>
      %sub3A_195 = arith.constant 1.500000e+00 : f32
      %sub3A_196 = vector.broadcast %sub3A_195 : f32 to vector<16xf32>
      %sub3A_197 = arith.subf %sub3A_196, %mul3A_194 : vector<16xf32>
      %mul3A_198 = arith.mulf %mul3A_189, %sub3A_197 : vector<16xf32>
      %mul3A_199 = arith.mulf %max3A_165, %mul3A_198 : vector<16xf32>
      %mul3A_200 = arith.constant 16 : i32
      %mul3A_201 = arith.muli %scan3A_107, %mul3A_200 : i32
      %swap3A = arith.index_cast %mul3A_201 : i32 to index
      %swap3A_202 = tpu.vector_load %arg15[%swap3A] {strides = array<i32>} : memref<256xf32, #tpu.memory_space<vmem>>, vector<16xf32>,
      tpu.vector_store %arg15[%swap3A], %mul3A_199 {strides = array<i32>} : memref<256xf32, #tpu.memory_space<vmem>>, vector<16xf32>,
    }
    %scan3A_40 = arith.constant 16 : i32
    %scan3A_41 = arith.constant 0 : i32
    %scan3A_42 = arith.constant 256 : i32
    %scan3A_43 = arith.addi %scan3A_41, %scan3A_42 : i32
    %scan3A_44 = arith.constant 1 : i32
    scf.for %scan3A_107 = %scan3A_41 to %scan3A_43 step %scan3A_44  : i32 {
      %get3A = arith.index_cast %scan3A_107 : i32 to index
      %get3A_108 = arith.constant 0 : index
      %get3A_109 = tpu.vector_load %arg14[%get3A, %get3A_108] {strides = array<i32>} : memref<256x16xi32, #tpu.memory_space<vmem>>, vector<16xi32>,
      %mul3A_110 = arith.constant 3 : i32
      %mul3A_111 = vector.broadcast %mul3A_110 : i32 to vector<16xi32>
      %mul3A_112 = arith.muli %get3A_109, %mul3A_111 : vector<16xi32>
      %add3A_113 = arith.constant 0 : i32
      %add3A_114 = vector.broadcast %add3A_113 : i32 to vector<16xi32>
      %add3A_115 = arith.addi %mul3A_112, %add3A_114 : vector<16xi32>
      %gather3A = tpu.vector_load_idx %arg9[%add3A_115] : memref<12288xf32, #tpu.memory_space<vmem>>[vector<16xi32>], vector<16xf32>,
      %mul3A_116 = arith.constant 3 : i32
      %mul3A_117 = arith.muli %scan3A_107, %mul3A_116 : i32
      %add3A_118 = arith.constant 0 : i32
      %add3A_119 = arith.addi %mul3A_117, %add3A_118 : i32
      %broadcast_in_dim3A = vector.broadcast %add3A_119 : i32 to vector<16xi32>
      %gather3A_120 = tpu.vector_load_idx %arg10[%broadcast_in_dim3A] : memref<768xf32, #tpu.memory_space<vmem>>[vector<16xi32>], vector<16xf32>,
      %sub3A_121 = arith.subf %gather3A_120, %gather3A : vector<16xf32>
      %abs3A = math.absf %sub3A_121 : vector<16xf32>
      %mul3A_122 = arith.constant 3 : i32
      %mul3A_123 = vector.broadcast %mul3A_122 : i32 to vector<16xi32>
      %mul3A_124 = arith.muli %get3A_109, %mul3A_123 : vector<16xi32>
      %add3A_125 = arith.constant 1 : i32
      %add3A_126 = vector.broadcast %add3A_125 : i32 to vector<16xi32>
      %add3A_127 = arith.addi %mul3A_124, %add3A_126 : vector<16xi32>
      %gather3A_128 = tpu.vector_load_idx %arg9[%add3A_127] : memref<12288xf32, #tpu.memory_space<vmem>>[vector<16xi32>], vector<16xf32>,
      %mul3A_129 = arith.constant 3 : i32
      %mul3A_130 = arith.muli %scan3A_107, %mul3A_129 : i32
      %add3A_131 = arith.constant 1 : i32
      %add3A_132 = arith.addi %mul3A_130, %add3A_131 : i32
      %broadcast_in_dim3A_133 = vector.broadcast %add3A_132 : i32 to vector<16xi32>
      %gather3A_134 = tpu.vector_load_idx %arg10[%broadcast_in_dim3A_133] : memref<768xf32, #tpu.memory_space<vmem>>[vector<16xi32>], vector<16xf32>,
      %sub3A_135 = arith.subf %gather3A_134, %gather3A_128 : vector<16xf32>
      %abs3A_136 = math.absf %sub3A_135 : vector<16xf32>
      %mul3A_137 = arith.constant 3 : i32
      %mul3A_138 = vector.broadcast %mul3A_137 : i32 to vector<16xi32>
      %mul3A_139 = arith.muli %get3A_109, %mul3A_138 : vector<16xi32>
      %add3A_140 = arith.constant 2 : i32
      %add3A_141 = vector.broadcast %add3A_140 : i32 to vector<16xi32>
      %add3A_142 = arith.addi %mul3A_139, %add3A_141 : vector<16xi32>
      %gather3A_143 = tpu.vector_load_idx %arg9[%add3A_142] : memref<12288xf32, #tpu.memory_space<vmem>>[vector<16xi32>], vector<16xf32>,
      %mul3A_144 = arith.constant 3 : i32
      %mul3A_145 = arith.muli %scan3A_107, %mul3A_144 : i32
      %add3A_146 = arith.constant 2 : i32
      %add3A_147 = arith.addi %mul3A_145, %add3A_146 : i32
      %broadcast_in_dim3A_148 = vector.broadcast %add3A_147 : i32 to vector<16xi32>
      %gather3A_149 = tpu.vector_load_idx %arg10[%broadcast_in_dim3A_148] : memref<768xf32, #tpu.memory_space<vmem>>[vector<16xi32>], vector<16xf32>,
      %sub3A_150 = arith.subf %gather3A_149, %gather3A_143 : vector<16xf32>
      %abs3A_151 = math.absf %sub3A_150 : vector<16xf32>
      %gather3A_152 = tpu.vector_load_idx %arg11[%get3A_109] : memref<4096xi32, #tpu.memory_space<vmem>>[vector<16xi32>], vector<16xi32>,
      %mul3A_153 = arith.constant 3 : i32
      %mul3A_154 = vector.broadcast %mul3A_153 : i32 to vector<16xi32>
      %mul3A_155 = arith.muli %gather3A_152, %mul3A_154 : vector<16xi32>
      %add3A_156 = arith.constant 0 : i32
      %add3A_157 = vector.broadcast %add3A_156 : i32 to vector<16xi32>
      %add3A_158 = arith.addi %mul3A_155, %add3A_157 : vector<16xi32>
      %gather3A_159 = tpu.vector_load_idx %arg12[%add3A_158] : memref<768xf32, #tpu.memory_space<vmem>>[vector<16xi32>], vector<16xf32>,
      %sub3A_160 = arith.subf %gather3A, %gather3A_159 : vector<16xf32>
      %mul3A_161 = arith.mulf %sub3A_160, %sub3A_160 : vector<16xf32>
      %mul3A_162 = arith.constant 3 : i32
      %mul3A_163 = vector.broadcast %mul3A_162 : i32 to vector<16xi32>
      %mul3A_164 = arith.muli %gather3A_152, %mul3A_163 : vector<16xi32>
      %add3A_165 = arith.constant 1 : i32
      %add3A_166 = vector.broadcast %add3A_165 : i32 to vector<16xi32>
      %add3A_167 = arith.addi %mul3A_164, %add3A_166 : vector<16xi32>
      %gather3A_168 = tpu.vector_load_idx %arg12[%add3A_167] : memref<768xf32, #tpu.memory_space<vmem>>[vector<16xi32>], vector<16xf32>,
      %sub3A_169 = arith.subf %gather3A_128, %gather3A_168 : vector<16xf32>
      %mul3A_170 = arith.mulf %sub3A_169, %sub3A_169 : vector<16xf32>
      %add3A_171 = arith.addf %mul3A_161, %mul3A_170 : vector<16xf32>
      %mul3A_172 = arith.constant 3 : i32
      %mul3A_173 = vector.broadcast %mul3A_172 : i32 to vector<16xi32>
      %mul3A_174 = arith.muli %gather3A_152, %mul3A_173 : vector<16xi32>
      %add3A_175 = arith.constant 2 : i32
      %add3A_176 = vector.broadcast %add3A_175 : i32 to vector<16xi32>
      %add3A_177 = arith.addi %mul3A_174, %add3A_176 : vector<16xi32>
      %gather3A_178 = tpu.vector_load_idx %arg12[%add3A_177] : memref<768xf32, #tpu.memory_space<vmem>>[vector<16xi32>], vector<16xf32>,
      %sub3A_179 = arith.subf %gather3A_143, %gather3A_178 : vector<16xf32>
      %mul3A_180 = arith.mulf %sub3A_179, %sub3A_179 : vector<16xf32>
      %add3A_181 = arith.addf %add3A_171, %mul3A_180 : vector<16xf32>
      %max3A = arith.constant 1.000000e-30 : f32
      %max3A_182 = vector.broadcast %max3A : f32 to vector<16xf32>
      %max3A_183 = arith.maximumf %add3A_181, %max3A_182 : vector<16xf32>
      %bitcast_convert_type3A = tpu.bitcast %max3A_183 : vector<16xf32> -> vector<16xi32>
      %shift_right_arithmetic3A = arith.constant 1 : i32
      %shift_right_arithmetic3A_184 = vector.broadcast %shift_right_arithmetic3A : i32 to vector<16xi32>
      %shift_right_arithmetic3A_185 = arith.shrsi %bitcast_convert_type3A, %shift_right_arithmetic3A_184 : vector<16xi32>
      %sub3A_186 = arith.constant 1597463007 : i32
      %sub3A_187 = vector.broadcast %sub3A_186 : i32 to vector<16xi32>
      %sub3A_188 = arith.subi %sub3A_187, %shift_right_arithmetic3A_185 : vector<16xi32>
      %bitcast_convert_type3A_189 = tpu.bitcast %sub3A_188 : vector<16xi32> -> vector<16xf32>
      %mul3A_190 = arith.constant 5.000000e-01 : f32
      %mul3A_191 = vector.broadcast %mul3A_190 : f32 to vector<16xf32>
      %mul3A_192 = arith.mulf %mul3A_191, %max3A_183 : vector<16xf32>
      %mul3A_193 = arith.mulf %mul3A_192, %bitcast_convert_type3A_189 : vector<16xf32>
      %mul3A_194 = arith.mulf %mul3A_193, %bitcast_convert_type3A_189 : vector<16xf32>
      %sub3A_195 = arith.constant 1.500000e+00 : f32
      %sub3A_196 = vector.broadcast %sub3A_195 : f32 to vector<16xf32>
      %sub3A_197 = arith.subf %sub3A_196, %mul3A_194 : vector<16xf32>
      %mul3A_198 = arith.mulf %bitcast_convert_type3A_189, %sub3A_197 : vector<16xf32>
      %mul3A_199 = arith.constant 5.000000e-01 : f32
      %mul3A_200 = vector.broadcast %mul3A_199 : f32 to vector<16xf32>
      %mul3A_201 = arith.mulf %mul3A_200, %max3A_183 : vector<16xf32>
      %mul3A_202 = arith.mulf %mul3A_201, %mul3A_198 : vector<16xf32>
      %mul3A_203 = arith.mulf %mul3A_202, %mul3A_198 : vector<16xf32>
      %sub3A_204 = arith.constant 1.500000e+00 : f32
      %sub3A_205 = vector.broadcast %sub3A_204 : f32 to vector<16xf32>
      %sub3A_206 = arith.subf %sub3A_205, %mul3A_203 : vector<16xf32>
      %mul3A_207 = arith.mulf %mul3A_198, %sub3A_206 : vector<16xf32>
      %mul3A_208 = arith.constant 5.000000e-01 : f32
      %mul3A_209 = vector.broadcast %mul3A_208 : f32 to vector<16xf32>
      %mul3A_210 = arith.mulf %mul3A_209, %max3A_183 : vector<16xf32>
      %mul3A_211 = arith.mulf %mul3A_210, %mul3A_207 : vector<16xf32>
      %mul3A_212 = arith.mulf %mul3A_211, %mul3A_207 : vector<16xf32>
      %sub3A_213 = arith.constant 1.500000e+00 : f32
      %sub3A_214 = vector.broadcast %sub3A_213 : f32 to vector<16xf32>
      %sub3A_215 = arith.subf %sub3A_214, %mul3A_212 : vector<16xf32>
      %mul3A_216 = arith.mulf %mul3A_207, %sub3A_215 : vector<16xf32>
      %mul3A_217 = arith.mulf %max3A_183, %mul3A_216 : vector<16xf32>
      %add3A_218 = arith.addi %scan3A_107, %add3A_34 : i32
      %broadcast_in_dim3A_219 = vector.broadcast %add3A_218 : i32 to vector<16xi32>
      %gather3A_220 = tpu.vector_load_idx %arg11[%broadcast_in_dim3A_219] : memref<4096xi32, #tpu.memory_space<vmem>>[vector<16xi32>], vector<16xi32>,
      %gather3A_221 = tpu.vector_load_idx %arg13[%gather3A_220, %gather3A_152] : memref<256x256xf32, #tpu.memory_space<vmem>>[vector<16xi32>, vector<16xi32>], vector<16xf32>,
      %broadcast_in_dim3A_222 = vector.broadcast %scan3A_107 : i32 to vector<16xi32>
      %gather3A_223 = tpu.vector_load_idx %arg15[%broadcast_in_dim3A_222] : memref<256xf32, #tpu.memory_space<vmem>>[vector<16xi32>], vector<16xf32>,
      %add3A_224 = arith.addf %gather3A_223, %gather3A_221 : vector<16xf32>
      %add3A_225 = arith.addf %add3A_224, %mul3A_217 : vector<16xf32>
      %mul3A_226 = arith.constant 16 : i32
      %mul3A_227 = arith.muli %scan3A_107, %mul3A_226 : i32
      %swap3A = arith.constant 0 : i32
      %swap3A_228 = arith.index_cast %swap3A : i32 to index
      %swap3A_229 = arith.index_cast %mul3A_227 : i32 to index
      %swap3A_230 = tpu.vector_load %arg16[%swap3A_228, %swap3A_229] {strides = array<i32>} : memref<6x4096xf32, #tpu.memory_space<vmem>>, vector<16xf32>,
      tpu.vector_store %arg16[%swap3A_228, %swap3A_229], %abs3A {strides = array<i32>} : memref<6x4096xf32, #tpu.memory_space<vmem>>, vector<16xf32>,
      %mul3A_231 = arith.constant 16 : i32
      %mul3A_232 = arith.muli %scan3A_107, %mul3A_231 : i32
      %swap3A_233 = arith.constant 1 : i32
      %swap3A_234 = arith.index_cast %swap3A_233 : i32 to index
      %swap3A_235 = arith.index_cast %mul3A_232 : i32 to index
      %swap3A_236 = tpu.vector_load %arg16[%swap3A_234, %swap3A_235] {strides = array<i32>} : memref<6x4096xf32, #tpu.memory_space<vmem>>, vector<16xf32>,
      tpu.vector_store %arg16[%swap3A_234, %swap3A_235], %abs3A_136 {strides = array<i32>} : memref<6x4096xf32, #tpu.memory_space<vmem>>, vector<16xf32>,
      %mul3A_237 = arith.constant 16 : i32
      %mul3A_238 = arith.muli %scan3A_107, %mul3A_237 : i32
      %swap3A_239 = arith.constant 2 : i32
      %swap3A_240 = arith.index_cast %swap3A_239 : i32 to index
      %swap3A_241 = arith.index_cast %mul3A_238 : i32 to index
      %swap3A_242 = tpu.vector_load %arg16[%swap3A_240, %swap3A_241] {strides = array<i32>} : memref<6x4096xf32, #tpu.memory_space<vmem>>, vector<16xf32>,
      tpu.vector_store %arg16[%swap3A_240, %swap3A_241], %abs3A_151 {strides = array<i32>} : memref<6x4096xf32, #tpu.memory_space<vmem>>, vector<16xf32>,
      %mul3A_243 = arith.constant 16 : i32
      %mul3A_244 = arith.muli %scan3A_107, %mul3A_243 : i32
      %swap3A_245 = arith.constant 3 : i32
      %swap3A_246 = arith.index_cast %swap3A_245 : i32 to index
      %swap3A_247 = arith.index_cast %mul3A_244 : i32 to index
      %swap3A_248 = tpu.vector_load %arg16[%swap3A_246, %swap3A_247] {strides = array<i32>} : memref<6x4096xf32, #tpu.memory_space<vmem>>, vector<16xf32>,
      tpu.vector_store %arg16[%swap3A_246, %swap3A_247], %add3A_225 {strides = array<i32>} : memref<6x4096xf32, #tpu.memory_space<vmem>>, vector<16xf32>,
      %mul3A_249 = arith.constant 16 : i32
      %mul3A_250 = arith.muli %scan3A_107, %mul3A_249 : i32
      %swap3A_251 = arith.constant 4 : i32
      %swap3A_252 = arith.index_cast %swap3A_251 : i32 to index
      %swap3A_253 = arith.index_cast %mul3A_250 : i32 to index
      %swap3A_254 = tpu.vector_load %arg16[%swap3A_252, %swap3A_253] {strides = array<i32>} : memref<6x4096xf32, #tpu.memory_space<vmem>>, vector<16xf32>,
      tpu.vector_store %arg16[%swap3A_252, %swap3A_253], %add3A_225 {strides = array<i32>} : memref<6x4096xf32, #tpu.memory_space<vmem>>, vector<16xf32>,
      %mul3A_255 = arith.constant 16 : i32
      %mul3A_256 = arith.muli %scan3A_107, %mul3A_255 : i32
      %swap3A_257 = arith.constant 5 : i32
      %swap3A_258 = arith.index_cast %swap3A_257 : i32 to index
      %swap3A_259 = arith.index_cast %mul3A_256 : i32 to index
      %swap3A_260 = tpu.vector_load %arg16[%swap3A_258, %swap3A_259] {strides = array<i32>} : memref<6x4096xf32, #tpu.memory_space<vmem>>, vector<16xf32>,
      tpu.vector_store %arg16[%swap3A_258, %swap3A_259], %add3A_225 {strides = array<i32>} : memref<6x4096xf32, #tpu.memory_space<vmem>>, vector<16xf32>,
    }
    %scan3A_45 = arith.constant 256 : i32
    %mul3A_46 = arith.constant 16 : i32
    %mul3A_47 = arith.muli %add3A_34, %mul3A_46 : i32
    %run_scoped3A = arith.constant 0 : i32
    %run_scoped3A_48 = arith.constant 0 : i32
    "tpu.region"() ({
      %run_scoped3A_107 = tpu.sem_alloc : memref<!tpu.dma_semaphore, #tpu.memory_space<semaphore_mem>>
      %dma_start3A = arith.constant 0 : i32
      %dma_start3A_108 = tpu.memref_slice %arg16[%run_scoped3A, %dma_start3A] : memref<6x4096xf32, #tpu.memory_space<vmem>> -> memref<1x4096xf32, #tpu.memory_space<vmem>>
      %dma_start3A_109 = tpu.memref_squeeze %dma_start3A_108 : memref<1x4096xf32, #tpu.memory_space<vmem>> -> memref<4096xf32, #tpu.memory_space<vmem>>
      %dma_start3A_110 = tpu.memref_slice %arg8[%select_n3A, %run_scoped3A_48, %mul3A_47] : memref<4x6x65536xf32, #tpu.memory_space<hbm>> -> memref<1x1x4096xf32, #tpu.memory_space<hbm>>
      %dma_start3A_111 = tpu.memref_squeeze %dma_start3A_110 : memref<1x1x4096xf32, #tpu.memory_space<hbm>> -> memref<4096xf32, #tpu.memory_space<hbm>>
      %dma_start3A_112 = tpu.memref_slice %arg8[%select_n3A, %run_scoped3A_48, %mul3A_47] : memref<4x6x65536xf32, #tpu.memory_space<hbm>> -> memref<1x1x4096xf32, #tpu.memory_space<hbm>>
      %dma_start3A_113 = tpu.memref_squeeze %dma_start3A_112 : memref<1x1x4096xf32, #tpu.memory_space<hbm>> -> memref<4096xf32, #tpu.memory_space<hbm>>
      %dma_start3A_114 = arith.constant 0 : i32
      %dma_start3A_115 = tpu.memref_slice %arg16[%run_scoped3A, %dma_start3A_114] : memref<6x4096xf32, #tpu.memory_space<vmem>> -> memref<1x4096xf32, #tpu.memory_space<vmem>>
      %dma_start3A_116 = tpu.memref_squeeze %dma_start3A_115 : memref<1x4096xf32, #tpu.memory_space<vmem>> -> memref<4096xf32, #tpu.memory_space<vmem>>
      tpu.enqueue_dma source(%dma_start3A_116 : memref<4096xf32, #tpu.memory_space<vmem>>) target(%dma_start3A_113 : memref<4096xf32, #tpu.memory_space<hbm>>) target_semaphore(%run_scoped3A_107 : memref<!tpu.dma_semaphore, #tpu.memory_space<semaphore_mem>>)
      %dma_wait3A = arith.constant 0 : i32
      %dma_wait3A_117 = tpu.memref_slice %arg16[%run_scoped3A, %dma_wait3A] : memref<6x4096xf32, #tpu.memory_space<vmem>> -> memref<1x4096xf32, #tpu.memory_space<vmem>>
      %dma_wait3A_118 = tpu.memref_squeeze %dma_wait3A_117 : memref<1x4096xf32, #tpu.memory_space<vmem>> -> memref<4096xf32, #tpu.memory_space<vmem>>
      %dma_wait3A_119 = tpu.memref_slice %arg8[%select_n3A, %run_scoped3A_48, %mul3A_47] : memref<4x6x65536xf32, #tpu.memory_space<hbm>> -> memref<1x1x4096xf32, #tpu.memory_space<hbm>>
      %dma_wait3A_120 = tpu.memref_squeeze %dma_wait3A_119 : memref<1x1x4096xf32, #tpu.memory_space<hbm>> -> memref<4096xf32, #tpu.memory_space<hbm>>
      %dma_wait3A_121 = tpu.memref_slice %arg8[%select_n3A, %run_scoped3A_48, %mul3A_47] : memref<4x6x65536xf32, #tpu.memory_space<hbm>> -> memref<1x1x4096xf32, #tpu.memory_space<hbm>>
      %dma_wait3A_122 = tpu.memref_squeeze %dma_wait3A_121 : memref<1x1x4096xf32, #tpu.memory_space<hbm>> -> memref<4096xf32, #tpu.memory_space<hbm>>
      %dma_wait3A_123 = arith.constant 0 : i32
      %dma_wait3A_124 = tpu.memref_slice %arg16[%run_scoped3A, %dma_wait3A_123] : memref<6x4096xf32, #tpu.memory_space<vmem>> -> memref<1x4096xf32, #tpu.memory_space<vmem>>
      %dma_wait3A_125 = tpu.memref_squeeze %dma_wait3A_124 : memref<1x4096xf32, #tpu.memory_space<vmem>> -> memref<4096xf32, #tpu.memory_space<vmem>>
      tpu.wait_dma2 semaphore(%run_scoped3A_107 : memref<!tpu.dma_semaphore, #tpu.memory_space<semaphore_mem>>) src(%dma_wait3A_125 : memref<4096xf32, #tpu.memory_space<vmem>>) dst(%dma_wait3A_122 : memref<4096xf32, #tpu.memory_space<hbm>>)
      tpu.yield
    }) : () -> ()
    %mul3A_49 = arith.constant 16 : i32
    %mul3A_50 = arith.muli %add3A_34, %mul3A_49 : i32
    %run_scoped3A_51 = arith.constant 1 : i32
    %run_scoped3A_52 = arith.constant 1 : i32
    "tpu.region"() ({
      %run_scoped3A_107 = tpu.sem_alloc : memref<!tpu.dma_semaphore, #tpu.memory_space<semaphore_mem>>
      %dma_start3A = arith.constant 0 : i32
      %dma_start3A_108 = tpu.memref_slice %arg16[%run_scoped3A_51, %dma_start3A] : memref<6x4096xf32, #tpu.memory_space<vmem>> -> memref<1x4096xf32, #tpu.memory_space<vmem>>
      %dma_start3A_109 = tpu.memref_squeeze %dma_start3A_108 : memref<1x4096xf32, #tpu.memory_space<vmem>> -> memref<4096xf32, #tpu.memory_space<vmem>>
      %dma_start3A_110 = tpu.memref_slice %arg8[%select_n3A, %run_scoped3A_52, %mul3A_50] : memref<4x6x65536xf32, #tpu.memory_space<hbm>> -> memref<1x1x4096xf32, #tpu.memory_space<hbm>>
      %dma_start3A_111 = tpu.memref_squeeze %dma_start3A_110 : memref<1x1x4096xf32, #tpu.memory_space<hbm>> -> memref<4096xf32, #tpu.memory_space<hbm>>
      %dma_start3A_112 = tpu.memref_slice %arg8[%select_n3A, %run_scoped3A_52, %mul3A_50] : memref<4x6x65536xf32, #tpu.memory_space<hbm>> -> memref<1x1x4096xf32, #tpu.memory_space<hbm>>
      %dma_start3A_113 = tpu.memref_squeeze %dma_start3A_112 : memref<1x1x4096xf32, #tpu.memory_space<hbm>> -> memref<4096xf32, #tpu.memory_space<hbm>>
      %dma_start3A_114 = arith.constant 0 : i32
      %dma_start3A_115 = tpu.memref_slice %arg16[%run_scoped3A_51, %dma_start3A_114] : memref<6x4096xf32, #tpu.memory_space<vmem>> -> memref<1x4096xf32, #tpu.memory_space<vmem>>
      %dma_start3A_116 = tpu.memref_squeeze %dma_start3A_115 : memref<1x4096xf32, #tpu.memory_space<vmem>> -> memref<4096xf32, #tpu.memory_space<vmem>>
      tpu.enqueue_dma source(%dma_start3A_116 : memref<4096xf32, #tpu.memory_space<vmem>>) target(%dma_start3A_113 : memref<4096xf32, #tpu.memory_space<hbm>>) target_semaphore(%run_scoped3A_107 : memref<!tpu.dma_semaphore, #tpu.memory_space<semaphore_mem>>)
      %dma_wait3A = arith.constant 0 : i32
      %dma_wait3A_117 = tpu.memref_slice %arg16[%run_scoped3A_51, %dma_wait3A] : memref<6x4096xf32, #tpu.memory_space<vmem>> -> memref<1x4096xf32, #tpu.memory_space<vmem>>
      %dma_wait3A_118 = tpu.memref_squeeze %dma_wait3A_117 : memref<1x4096xf32, #tpu.memory_space<vmem>> -> memref<4096xf32, #tpu.memory_space<vmem>>
      %dma_wait3A_119 = tpu.memref_slice %arg8[%select_n3A, %run_scoped3A_52, %mul3A_50] : memref<4x6x65536xf32, #tpu.memory_space<hbm>> -> memref<1x1x4096xf32, #tpu.memory_space<hbm>>
      %dma_wait3A_120 = tpu.memref_squeeze %dma_wait3A_119 : memref<1x1x4096xf32, #tpu.memory_space<hbm>> -> memref<4096xf32, #tpu.memory_space<hbm>>
      %dma_wait3A_121 = tpu.memref_slice %arg8[%select_n3A, %run_scoped3A_52, %mul3A_50] : memref<4x6x65536xf32, #tpu.memory_space<hbm>> -> memref<1x1x4096xf32, #tpu.memory_space<hbm>>
      %dma_wait3A_122 = tpu.memref_squeeze %dma_wait3A_121 : memref<1x1x4096xf32, #tpu.memory_space<hbm>> -> memref<4096xf32, #tpu.memory_space<hbm>>
      %dma_wait3A_123 = arith.constant 0 : i32
      %dma_wait3A_124 = tpu.memref_slice %arg16[%run_scoped3A_51, %dma_wait3A_123] : memref<6x4096xf32, #tpu.memory_space<vmem>> -> memref<1x4096xf32, #tpu.memory_space<vmem>>
      %dma_wait3A_125 = tpu.memref_squeeze %dma_wait3A_124 : memref<1x4096xf32, #tpu.memory_space<vmem>> -> memref<4096xf32, #tpu.memory_space<vmem>>
      tpu.wait_dma2 semaphore(%run_scoped3A_107 : memref<!tpu.dma_semaphore, #tpu.memory_space<semaphore_mem>>) src(%dma_wait3A_125 : memref<4096xf32, #tpu.memory_space<vmem>>) dst(%dma_wait3A_122 : memref<4096xf32, #tpu.memory_space<hbm>>)
      tpu.yield
    }) : () -> ()
    %mul3A_53 = arith.constant 16 : i32
    %mul3A_54 = arith.muli %add3A_34, %mul3A_53 : i32
    %run_scoped3A_55 = arith.constant 2 : i32
    %run_scoped3A_56 = arith.constant 2 : i32
    "tpu.region"() ({
      %run_scoped3A_107 = tpu.sem_alloc : memref<!tpu.dma_semaphore, #tpu.memory_space<semaphore_mem>>
      %dma_start3A = arith.constant 0 : i32
      %dma_start3A_108 = tpu.memref_slice %arg16[%run_scoped3A_55, %dma_start3A] : memref<6x4096xf32, #tpu.memory_space<vmem>> -> memref<1x4096xf32, #tpu.memory_space<vmem>>
      %dma_start3A_109 = tpu.memref_squeeze %dma_start3A_108 : memref<1x4096xf32, #tpu.memory_space<vmem>> -> memref<4096xf32, #tpu.memory_space<vmem>>
      %dma_start3A_110 = tpu.memref_slice %arg8[%select_n3A, %run_scoped3A_56, %mul3A_54] : memref<4x6x65536xf32, #tpu.memory_space<hbm>> -> memref<1x1x4096xf32, #tpu.memory_space<hbm>>
      %dma_start3A_111 = tpu.memref_squeeze %dma_start3A_110 : memref<1x1x4096xf32, #tpu.memory_space<hbm>> -> memref<4096xf32, #tpu.memory_space<hbm>>
      %dma_start3A_112 = tpu.memref_slice %arg8[%select_n3A, %run_scoped3A_56, %mul3A_54] : memref<4x6x65536xf32, #tpu.memory_space<hbm>> -> memref<1x1x4096xf32, #tpu.memory_space<hbm>>
      %dma_start3A_113 = tpu.memref_squeeze %dma_start3A_112 : memref<1x1x4096xf32, #tpu.memory_space<hbm>> -> memref<4096xf32, #tpu.memory_space<hbm>>
      %dma_start3A_114 = arith.constant 0 : i32
      %dma_start3A_115 = tpu.memref_slice %arg16[%run_scoped3A_55, %dma_start3A_114] : memref<6x4096xf32, #tpu.memory_space<vmem>> -> memref<1x4096xf32, #tpu.memory_space<vmem>>
      %dma_start3A_116 = tpu.memref_squeeze %dma_start3A_115 : memref<1x4096xf32, #tpu.memory_space<vmem>> -> memref<4096xf32, #tpu.memory_space<vmem>>
      tpu.enqueue_dma source(%dma_start3A_116 : memref<4096xf32, #tpu.memory_space<vmem>>) target(%dma_start3A_113 : memref<4096xf32, #tpu.memory_space<hbm>>) target_semaphore(%run_scoped3A_107 : memref<!tpu.dma_semaphore, #tpu.memory_space<semaphore_mem>>)
      %dma_wait3A = arith.constant 0 : i32
      %dma_wait3A_117 = tpu.memref_slice %arg16[%run_scoped3A_55, %dma_wait3A] : memref<6x4096xf32, #tpu.memory_space<vmem>> -> memref<1x4096xf32, #tpu.memory_space<vmem>>
      %dma_wait3A_118 = tpu.memref_squeeze %dma_wait3A_117 : memref<1x4096xf32, #tpu.memory_space<vmem>> -> memref<4096xf32, #tpu.memory_space<vmem>>
      %dma_wait3A_119 = tpu.memref_slice %arg8[%select_n3A, %run_scoped3A_56, %mul3A_54] : memref<4x6x65536xf32, #tpu.memory_space<hbm>> -> memref<1x1x4096xf32, #tpu.memory_space<hbm>>
      %dma_wait3A_120 = tpu.memref_squeeze %dma_wait3A_119 : memref<1x1x4096xf32, #tpu.memory_space<hbm>> -> memref<4096xf32, #tpu.memory_space<hbm>>
      %dma_wait3A_121 = tpu.memref_slice %arg8[%select_n3A, %run_scoped3A_56, %mul3A_54] : memref<4x6x65536xf32, #tpu.memory_space<hbm>> -> memref<1x1x4096xf32, #tpu.memory_space<hbm>>
      %dma_wait3A_122 = tpu.memref_squeeze %dma_wait3A_121 : memref<1x1x4096xf32, #tpu.memory_space<hbm>> -> memref<4096xf32, #tpu.memory_space<hbm>>
      %dma_wait3A_123 = arith.constant 0 : i32
      %dma_wait3A_124 = tpu.memref_slice %arg16[%run_scoped3A_55, %dma_wait3A_123] : memref<6x4096xf32, #tpu.memory_space<vmem>> -> memref<1x4096xf32, #tpu.memory_space<vmem>>
      %dma_wait3A_125 = tpu.memref_squeeze %dma_wait3A_124 : memref<1x4096xf32, #tpu.memory_space<vmem>> -> memref<4096xf32, #tpu.memory_space<vmem>>
      tpu.wait_dma2 semaphore(%run_scoped3A_107 : memref<!tpu.dma_semaphore, #tpu.memory_space<semaphore_mem>>) src(%dma_wait3A_125 : memref<4096xf32, #tpu.memory_space<vmem>>) dst(%dma_wait3A_122 : memref<4096xf32, #tpu.memory_space<hbm>>)
      tpu.yield
    }) : () -> ()
    %mul3A_57 = arith.constant 16 : i32
    %mul3A_58 = arith.muli %add3A_34, %mul3A_57 : i32
    %run_scoped3A_59 = arith.constant 3 : i32
    %run_scoped3A_60 = arith.constant 3 : i32
    "tpu.region"() ({
      %run_scoped3A_107 = tpu.sem_alloc : memref<!tpu.dma_semaphore, #tpu.memory_space<semaphore_mem>>
      %dma_start3A = arith.constant 0 : i32
      %dma_start3A_108 = tpu.memref_slice %arg16[%run_scoped3A_59, %dma_start3A] : memref<6x4096xf32, #tpu.memory_space<vmem>> -> memref<1x4096xf32, #tpu.memory_space<vmem>>
      %dma_start3A_109 = tpu.memref_squeeze %dma_start3A_108 : memref<1x4096xf32, #tpu.memory_space<vmem>> -> memref<4096xf32, #tpu.memory_space<vmem>>
      %dma_start3A_110 = tpu.memref_slice %arg8[%select_n3A, %run_scoped3A_60, %mul3A_58] : memref<4x6x65536xf32, #tpu.memory_space<hbm>> -> memref<1x1x4096xf32, #tpu.memory_space<hbm>>
      %dma_start3A_111 = tpu.memref_squeeze %dma_start3A_110 : memref<1x1x4096xf32, #tpu.memory_space<hbm>> -> memref<4096xf32, #tpu.memory_space<hbm>>
      %dma_start3A_112 = tpu.memref_slice %arg8[%select_n3A, %run_scoped3A_60, %mul3A_58] : memref<4x6x65536xf32, #tpu.memory_space<hbm>> -> memref<1x1x4096xf32, #tpu.memory_space<hbm>>
      %dma_start3A_113 = tpu.memref_squeeze %dma_start3A_112 : memref<1x1x4096xf32, #tpu.memory_space<hbm>> -> memref<4096xf32, #tpu.memory_space<hbm>>
      %dma_start3A_114 = arith.constant 0 : i32
      %dma_start3A_115 = tpu.memref_slice %arg16[%run_scoped3A_59, %dma_start3A_114] : memref<6x4096xf32, #tpu.memory_space<vmem>> -> memref<1x4096xf32, #tpu.memory_space<vmem>>
      %dma_start3A_116 = tpu.memref_squeeze %dma_start3A_115 : memref<1x4096xf32, #tpu.memory_space<vmem>> -> memref<4096xf32, #tpu.memory_space<vmem>>
      tpu.enqueue_dma source(%dma_start3A_116 : memref<4096xf32, #tpu.memory_space<vmem>>) target(%dma_start3A_113 : memref<4096xf32, #tpu.memory_space<hbm>>) target_semaphore(%run_scoped3A_107 : memref<!tpu.dma_semaphore, #tpu.memory_space<semaphore_mem>>)
      %dma_wait3A = arith.constant 0 : i32
      %dma_wait3A_117 = tpu.memref_slice %arg16[%run_scoped3A_59, %dma_wait3A] : memref<6x4096xf32, #tpu.memory_space<vmem>> -> memref<1x4096xf32, #tpu.memory_space<vmem>>
      %dma_wait3A_118 = tpu.memref_squeeze %dma_wait3A_117 : memref<1x4096xf32, #tpu.memory_space<vmem>> -> memref<4096xf32, #tpu.memory_space<vmem>>
      %dma_wait3A_119 = tpu.memref_slice %arg8[%select_n3A, %run_scoped3A_60, %mul3A_58] : memref<4x6x65536xf32, #tpu.memory_space<hbm>> -> memref<1x1x4096xf32, #tpu.memory_space<hbm>>
      %dma_wait3A_120 = tpu.memref_squeeze %dma_wait3A_119 : memref<1x1x4096xf32, #tpu.memory_space<hbm>> -> memref<4096xf32, #tpu.memory_space<hbm>>
      %dma_wait3A_121 = tpu.memref_slice %arg8[%select_n3A, %run_scoped3A_60, %mul3A_58] : memref<4x6x65536xf32, #tpu.memory_space<hbm>> -> memref<1x1x4096xf32, #tpu.memory_space<hbm>>
      %dma_wait3A_122 = tpu.memref_squeeze %dma_wait3A_121 : memref<1x1x4096xf32, #tpu.memory_space<hbm>> -> memref<4096xf32, #tpu.memory_space<hbm>>
      %dma_wait3A_123 = arith.constant 0 : i32
      %dma_wait3A_124 = tpu.memref_slice %arg16[%run_scoped3A_59, %dma_wait3A_123] : memref<6x4096xf32, #tpu.memory_space<vmem>> -> memref<1x4096xf32, #tpu.memory_space<vmem>>
      %dma_wait3A_125 = tpu.memref_squeeze %dma_wait3A_124 : memref<1x4096xf32, #tpu.memory_space<vmem>> -> memref<4096xf32, #tpu.memory_space<vmem>>
      tpu.wait_dma2 semaphore(%run_scoped3A_107 : memref<!tpu.dma_semaphore, #tpu.memory_space<semaphore_mem>>) src(%dma_wait3A_125 : memref<4096xf32, #tpu.memory_space<vmem>>) dst(%dma_wait3A_122 : memref<4096xf32, #tpu.memory_space<hbm>>)
      tpu.yield
    }) : () -> ()
    %mul3A_61 = arith.constant 16 : i32
    %mul3A_62 = arith.muli %add3A_34, %mul3A_61 : i32
    %run_scoped3A_63 = arith.constant 4 : i32
    %run_scoped3A_64 = arith.constant 4 : i32
    "tpu.region"() ({
      %run_scoped3A_107 = tpu.sem_alloc : memref<!tpu.dma_semaphore, #tpu.memory_space<semaphore_mem>>
      %dma_start3A = arith.constant 0 : i32
      %dma_start3A_108 = tpu.memref_slice %arg16[%run_scoped3A_63, %dma_start3A] : memref<6x4096xf32, #tpu.memory_space<vmem>> -> memref<1x4096xf32, #tpu.memory_space<vmem>>
      %dma_start3A_109 = tpu.memref_squeeze %dma_start3A_108 : memref<1x4096xf32, #tpu.memory_space<vmem>> -> memref<4096xf32, #tpu.memory_space<vmem>>
      %dma_start3A_110 = tpu.memref_slice %arg8[%select_n3A, %run_scoped3A_64, %mul3A_62] : memref<4x6x65536xf32, #tpu.memory_space<hbm>> -> memref<1x1x4096xf32, #tpu.memory_space<hbm>>
      %dma_start3A_111 = tpu.memref_squeeze %dma_start3A_110 : memref<1x1x4096xf32, #tpu.memory_space<hbm>> -> memref<4096xf32, #tpu.memory_space<hbm>>
      %dma_start3A_112 = tpu.memref_slice %arg8[%select_n3A, %run_scoped3A_64, %mul3A_62] : memref<4x6x65536xf32, #tpu.memory_space<hbm>> -> memref<1x1x4096xf32, #tpu.memory_space<hbm>>
      %dma_start3A_113 = tpu.memref_squeeze %dma_start3A_112 : memref<1x1x4096xf32, #tpu.memory_space<hbm>> -> memref<4096xf32, #tpu.memory_space<hbm>>
      %dma_start3A_114 = arith.constant 0 : i32
      %dma_start3A_115 = tpu.memref_slice %arg16[%run_scoped3A_63, %dma_start3A_114] : memref<6x4096xf32, #tpu.memory_space<vmem>> -> memref<1x4096xf32, #tpu.memory_space<vmem>>
      %dma_start3A_116 = tpu.memref_squeeze %dma_start3A_115 : memref<1x4096xf32, #tpu.memory_space<vmem>> -> memref<4096xf32, #tpu.memory_space<vmem>>
      tpu.enqueue_dma source(%dma_start3A_116 : memref<4096xf32, #tpu.memory_space<vmem>>) target(%dma_start3A_113 : memref<4096xf32, #tpu.memory_space<hbm>>) target_semaphore(%run_scoped3A_107 : memref<!tpu.dma_semaphore, #tpu.memory_space<semaphore_mem>>)
      %dma_wait3A = arith.constant 0 : i32
      %dma_wait3A_117 = tpu.memref_slice %arg16[%run_scoped3A_63, %dma_wait3A] : memref<6x4096xf32, #tpu.memory_space<vmem>> -> memref<1x4096xf32, #tpu.memory_space<vmem>>
      %dma_wait3A_118 = tpu.memref_squeeze %dma_wait3A_117 : memref<1x4096xf32, #tpu.memory_space<vmem>> -> memref<4096xf32, #tpu.memory_space<vmem>>
      %dma_wait3A_119 = tpu.memref_slice %arg8[%select_n3A, %run_scoped3A_64, %mul3A_62] : memref<4x6x65536xf32, #tpu.memory_space<hbm>> -> memref<1x1x4096xf32, #tpu.memory_space<hbm>>
      %dma_wait3A_120 = tpu.memref_squeeze %dma_wait3A_119 : memref<1x1x4096xf32, #tpu.memory_space<hbm>> -> memref<4096xf32, #tpu.memory_space<hbm>>
      %dma_wait3A_121 = tpu.memref_slice %arg8[%select_n3A, %run_scoped3A_64, %mul3A_62] : memref<4x6x65536xf32, #tpu.memory_space<hbm>> -> memref<1x1x4096xf32, #tpu.memory_space<hbm>>
      %dma_wait3A_122 = tpu.memref_squeeze %dma_wait3A_121 : memref<1x1x4096xf32, #tpu.memory_space<hbm>> -> memref<4096xf32, #tpu.memory_space<hbm>>
      %dma_wait3A_123 = arith.constant 0 : i32
      %dma_wait3A_124 = tpu.memref_slice %arg16[%run_scoped3A_63, %dma_wait3A_123] : memref<6x4096xf32, #tpu.memory_space<vmem>> -> memref<1x4096xf32, #tpu.memory_space<vmem>>
      %dma_wait3A_125 = tpu.memref_squeeze %dma_wait3A_124 : memref<1x4096xf32, #tpu.memory_space<vmem>> -> memref<4096xf32, #tpu.memory_space<vmem>>
      tpu.wait_dma2 semaphore(%run_scoped3A_107 : memref<!tpu.dma_semaphore, #tpu.memory_space<semaphore_mem>>) src(%dma_wait3A_125 : memref<4096xf32, #tpu.memory_space<vmem>>) dst(%dma_wait3A_122 : memref<4096xf32, #tpu.memory_space<hbm>>)
      tpu.yield
    }) : () -> ()
    %mul3A_65 = arith.constant 16 : i32
    %mul3A_66 = arith.muli %add3A_34, %mul3A_65 : i32
    %run_scoped3A_67 = arith.constant 5 : i32
    %run_scoped3A_68 = arith.constant 5 : i32
    "tpu.region"() ({
      %run_scoped3A_107 = tpu.sem_alloc : memref<!tpu.dma_semaphore, #tpu.memory_space<semaphore_mem>>
      %dma_start3A = arith.constant 0 : i32
      %dma_start3A_108 = tpu.memref_slice %arg16[%run_scoped3A_67, %dma_start3A] : memref<6x4096xf32, #tpu.memory_space<vmem>> -> memref<1x4096xf32, #tpu.memory_space<vmem>>
      %dma_start3A_109 = tpu.memref_squeeze %dma_start3A_108 : memref<1x4096xf32, #tpu.memory_space<vmem>> -> memref<4096xf32, #tpu.memory_space<vmem>>
      %dma_start3A_110 = tpu.memref_slice %arg8[%select_n3A, %run_scoped3A_68, %mul3A_66] : memref<4x6x65536xf32, #tpu.memory_space<hbm>> -> memref<1x1x4096xf32, #tpu.memory_space<hbm>>
      %dma_start3A_111 = tpu.memref_squeeze %dma_start3A_110 : memref<1x1x4096xf32, #tpu.memory_space<hbm>> -> memref<4096xf32, #tpu.memory_space<hbm>>
      %dma_start3A_112 = tpu.memref_slice %arg8[%select_n3A, %run_scoped3A_68, %mul3A_66] : memref<4x6x65536xf32, #tpu.memory_space<hbm>> -> memref<1x1x4096xf32, #tpu.memory_space<hbm>>
      %dma_start3A_113 = tpu.memref_squeeze %dma_start3A_112 : memref<1x1x4096xf32, #tpu.memory_space<hbm>> -> memref<4096xf32, #tpu.memory_space<hbm>>
      %dma_start3A_114 = arith.constant 0 : i32
      %dma_start3A_115 = tpu.memref_slice %arg16[%run_scoped3A_67, %dma_start3A_114] : memref<6x4096xf32, #tpu.memory_space<vmem>> -> memref<1x4096xf32, #tpu.memory_space<vmem>>
      %dma_start3A_116 = tpu.memref_squeeze %dma_start3A_115 : memref<1x4096xf32, #tpu.memory_space<vmem>> -> memref<4096xf32, #tpu.memory_space<vmem>>
      tpu.enqueue_dma source(%dma_start3A_116 : memref<4096xf32, #tpu.memory_space<vmem>>) target(%dma_start3A_113 : memref<4096xf32, #tpu.memory_space<hbm>>) target_semaphore(%run_scoped3A_107 : memref<!tpu.dma_semaphore, #tpu.memory_space<semaphore_mem>>)
      %dma_wait3A = arith.constant 0 : i32
      %dma_wait3A_117 = tpu.memref_slice %arg16[%run_scoped3A_67, %dma_wait3A] : memref<6x4096xf32, #tpu.memory_space<vmem>> -> memref<1x4096xf32, #tpu.memory_space<vmem>>
      %dma_wait3A_118 = tpu.memref_squeeze %dma_wait3A_117 : memref<1x4096xf32, #tpu.memory_space<vmem>> -> memref<4096xf32, #tpu.memory_space<vmem>>
      %dma_wait3A_119 = tpu.memref_slice %arg8[%select_n3A, %run_scoped3A_68, %mul3A_66] : memref<4x6x65536xf32, #tpu.memory_space<hbm>> -> memref<1x1x4096xf32, #tpu.memory_space<hbm>>
      %dma_wait3A_120 = tpu.memref_squeeze %dma_wait3A_119 : memref<1x1x4096xf32, #tpu.memory_space<hbm>> -> memref<4096xf32, #tpu.memory_space<hbm>>
      %dma_wait3A_121 = tpu.memref_slice %arg8[%select_n3A, %run_scoped3A_68, %mul3A_66] : memref<4x6x65536xf32, #tpu.memory_space<hbm>> -> memref<1x1x4096xf32, #tpu.memory_space<hbm>>
      %dma_wait3A_122 = tpu.memref_squeeze %dma_wait3A_121 : memref<1x1x4096xf32, #tpu.memory_space<hbm>> -> memref<4096xf32, #tpu.memory_space<hbm>>
      %dma_wait3A_123 = arith.constant 0 : i32
      %dma_wait3A_124 = tpu.memref_slice %arg16[%run_scoped3A_67, %dma_wait3A_123] : memref<6x4096xf32, #tpu.memory_space<vmem>> -> memref<1x4096xf32, #tpu.memory_space<vmem>>
      %dma_wait3A_125 = tpu.memref_squeeze %dma_wait3A_124 : memref<1x4096xf32, #tpu.memory_space<vmem>> -> memref<4096xf32, #tpu.memory_space<vmem>>
      tpu.wait_dma2 semaphore(%run_scoped3A_107 : memref<!tpu.dma_semaphore, #tpu.memory_space<semaphore_mem>>) src(%dma_wait3A_125 : memref<4096xf32, #tpu.memory_space<vmem>>) dst(%dma_wait3A_122 : memref<4096xf32, #tpu.memory_space<hbm>>)
      tpu.yield
    }) : () -> ()
    %add3A_69 = arith.constant 256 : i32
    %add3A_70 = arith.addi %select_n3A_32, %add3A_69 : i32
    "tpu.region"() ({
      %run_scoped3A_107 = tpu.sem_alloc : memref<!tpu.dma_semaphore, #tpu.memory_space<semaphore_mem>>
      %dma_start3A = arith.constant 0 : i32
      %dma_start3A_108 = tpu.memref_slice %arg7[%select_n3A, %add3A_70, %dma_start3A] : memref<4x4096x16xi32, #tpu.memory_space<hbm>> -> memref<1x256x16xi32, #tpu.memory_space<hbm>>
      %dma_start3A_109 = tpu.memref_squeeze %dma_start3A_108 : memref<1x256x16xi32, #tpu.memory_space<hbm>> -> memref<256x16xi32, #tpu.memory_space<hbm>>
      %dma_start3A_110 = arith.constant 0 : i32
      %dma_start3A_111 = tpu.memref_slice %arg7[%select_n3A, %add3A_70, %dma_start3A_110] : memref<4x4096x16xi32, #tpu.memory_space<hbm>> -> memref<1x256x16xi32, #tpu.memory_space<hbm>>
      %dma_start3A_112 = tpu.memref_squeeze %dma_start3A_111 : memref<1x256x16xi32, #tpu.memory_space<hbm>> -> memref<256x16xi32, #tpu.memory_space<hbm>>
      tpu.enqueue_dma source(%dma_start3A_112 : memref<256x16xi32, #tpu.memory_space<hbm>>) target(%arg14 : memref<256x16xi32, #tpu.memory_space<vmem>>) target_semaphore(%run_scoped3A_107 : memref<!tpu.dma_semaphore, #tpu.memory_space<semaphore_mem>>)
      %dma_wait3A = arith.constant 0 : i32
      %dma_wait3A_113 = tpu.memref_slice %arg7[%select_n3A, %add3A_70, %dma_wait3A] : memref<4x4096x16xi32, #tpu.memory_space<hbm>> -> memref<1x256x16xi32, #tpu.memory_space<hbm>>
      %dma_wait3A_114 = tpu.memref_squeeze %dma_wait3A_113 : memref<1x256x16xi32, #tpu.memory_space<hbm>> -> memref<256x16xi32, #tpu.memory_space<hbm>>
      %dma_wait3A_115 = arith.constant 0 : i32
      %dma_wait3A_116 = tpu.memref_slice %arg7[%select_n3A, %add3A_70, %dma_wait3A_115] : memref<4x4096x16xi32, #tpu.memory_space<hbm>> -> memref<1x256x16xi32, #tpu.memory_space<hbm>>
      %dma_wait3A_117 = tpu.memref_squeeze %dma_wait3A_116 : memref<1x256x16xi32, #tpu.memory_space<hbm>> -> memref<256x16xi32, #tpu.memory_space<hbm>>
      tpu.wait_dma2 semaphore(%run_scoped3A_107 : memref<!tpu.dma_semaphore, #tpu.memory_space<semaphore_mem>>) src(%dma_wait3A_117 : memref<256x16xi32, #tpu.memory_space<hbm>>) dst(%arg14 : memref<256x16xi32, #tpu.memory_space<vmem>>)
      tpu.yield
    }) : () -> ()
    %mul3A_71 = arith.constant 3 : i32
    %mul3A_72 = arith.muli %add3A_70, %mul3A_71 : i32
    "tpu.region"() ({
      %run_scoped3A_107 = tpu.sem_alloc : memref<!tpu.dma_semaphore, #tpu.memory_space<semaphore_mem>>
      %dma_start3A = tpu.memref_slice %arg2[%select_n3A, %mul3A_72] : memref<4x12288xf32, #tpu.memory_space<hbm>> -> memref<1x768xf32, #tpu.memory_space<hbm>>
      %dma_start3A_108 = tpu.memref_squeeze %dma_start3A : memref<1x768xf32, #tpu.memory_space<hbm>> -> memref<768xf32, #tpu.memory_space<hbm>>
      %dma_start3A_109 = tpu.memref_slice %arg2[%select_n3A, %mul3A_72] : memref<4x12288xf32, #tpu.memory_space<hbm>> -> memref<1x768xf32, #tpu.memory_space<hbm>>
      %dma_start3A_110 = tpu.memref_squeeze %dma_start3A_109 : memref<1x768xf32, #tpu.memory_space<hbm>> -> memref<768xf32, #tpu.memory_space<hbm>>
      tpu.enqueue_dma source(%dma_start3A_110 : memref<768xf32, #tpu.memory_space<hbm>>) target(%arg10 : memref<768xf32, #tpu.memory_space<vmem>>) target_semaphore(%run_scoped3A_107 : memref<!tpu.dma_semaphore, #tpu.memory_space<semaphore_mem>>)
      %dma_wait3A = tpu.memref_slice %arg2[%select_n3A, %mul3A_72] : memref<4x12288xf32, #tpu.memory_space<hbm>> -> memref<1x768xf32, #tpu.memory_space<hbm>>
      %dma_wait3A_111 = tpu.memref_squeeze %dma_wait3A : memref<1x768xf32, #tpu.memory_space<hbm>> -> memref<768xf32, #tpu.memory_space<hbm>>
      %dma_wait3A_112 = tpu.memref_slice %arg2[%select_n3A, %mul3A_72] : memref<4x12288xf32, #tpu.memory_space<hbm>> -> memref<1x768xf32, #tpu.memory_space<hbm>>
      %dma_wait3A_113 = tpu.memref_squeeze %dma_wait3A_112 : memref<1x768xf32, #tpu.memory_space<hbm>> -> memref<768xf32, #tpu.memory_space<hbm>>
      tpu.wait_dma2 semaphore(%run_scoped3A_107 : memref<!tpu.dma_semaphore, #tpu.memory_space<semaphore_mem>>) src(%dma_wait3A_113 : memref<768xf32, #tpu.memory_space<hbm>>) dst(%arg10 : memref<768xf32, #tpu.memory_space<vmem>>)
      tpu.yield
    }) : () -> ()
    %scan3A_73 = arith.constant 0 : i32
    %scan3A_74 = arith.constant 16 : i32
    %scan3A_75 = arith.addi %scan3A_73, %scan3A_74 : i32
    %scan3A_76 = arith.constant 1 : i32
    scf.for %scan3A_107 = %scan3A_73 to %scan3A_75 step %scan3A_76  : i32 {
      %mul3A_108 = arith.constant 16 : i32
      %mul3A_109 = arith.muli %scan3A_107, %mul3A_108 : i32
      %add3A_110 = vector.broadcast %mul3A_109 : i32 to vector<16xi32>
      %add3A_111 = arith.addi %iota3A, %add3A_110 : vector<16xi32>
      %add3A_112 = vector.broadcast %add3A_70 : i32 to vector<16xi32>
      %add3A_113 = arith.addi %add3A_111, %add3A_112 : vector<16xi32>
      %gather3A = tpu.vector_load_idx %arg11[%add3A_113] : memref<4096xi32, #tpu.memory_space<vmem>>[vector<16xi32>], vector<16xi32>,
      %mul3A_114 = arith.constant 3 : i32
      %mul3A_115 = vector.broadcast %mul3A_114 : i32 to vector<16xi32>
      %mul3A_116 = arith.muli %add3A_111, %mul3A_115 : vector<16xi32>
      %add3A_117 = arith.constant 0 : i32
      %add3A_118 = vector.broadcast %add3A_117 : i32 to vector<16xi32>
      %add3A_119 = arith.addi %mul3A_116, %add3A_118 : vector<16xi32>
      %gather3A_120 = tpu.vector_load_idx %arg10[%add3A_119] : memref<768xf32, #tpu.memory_space<vmem>>[vector<16xi32>], vector<16xf32>,
      %mul3A_121 = arith.constant 3 : i32
      %mul3A_122 = vector.broadcast %mul3A_121 : i32 to vector<16xi32>
      %mul3A_123 = arith.muli %gather3A, %mul3A_122 : vector<16xi32>
      %add3A_124 = arith.constant 0 : i32
      %add3A_125 = vector.broadcast %add3A_124 : i32 to vector<16xi32>
      %add3A_126 = arith.addi %mul3A_123, %add3A_125 : vector<16xi32>
      %gather3A_127 = tpu.vector_load_idx %arg12[%add3A_126] : memref<768xf32, #tpu.memory_space<vmem>>[vector<16xi32>], vector<16xf32>,
      %sub3A_128 = arith.subf %gather3A_120, %gather3A_127 : vector<16xf32>
      %mul3A_129 = arith.mulf %sub3A_128, %sub3A_128 : vector<16xf32>
      %mul3A_130 = arith.constant 3 : i32
      %mul3A_131 = vector.broadcast %mul3A_130 : i32 to vector<16xi32>
      %mul3A_132 = arith.muli %add3A_111, %mul3A_131 : vector<16xi32>
      %add3A_133 = arith.constant 1 : i32
      %add3A_134 = vector.broadcast %add3A_133 : i32 to vector<16xi32>
      %add3A_135 = arith.addi %mul3A_132, %add3A_134 : vector<16xi32>
      %gather3A_136 = tpu.vector_load_idx %arg10[%add3A_135] : memref<768xf32, #tpu.memory_space<vmem>>[vector<16xi32>], vector<16xf32>,
      %mul3A_137 = arith.constant 3 : i32
      %mul3A_138 = vector.broadcast %mul3A_137 : i32 to vector<16xi32>
      %mul3A_139 = arith.muli %gather3A, %mul3A_138 : vector<16xi32>
      %add3A_140 = arith.constant 1 : i32
      %add3A_141 = vector.broadcast %add3A_140 : i32 to vector<16xi32>
      %add3A_142 = arith.addi %mul3A_139, %add3A_141 : vector<16xi32>
      %gather3A_143 = tpu.vector_load_idx %arg12[%add3A_142] : memref<768xf32, #tpu.memory_space<vmem>>[vector<16xi32>], vector<16xf32>,
      %sub3A_144 = arith.subf %gather3A_136, %gather3A_143 : vector<16xf32>
      %mul3A_145 = arith.mulf %sub3A_144, %sub3A_144 : vector<16xf32>
      %add3A_146 = arith.addf %mul3A_129, %mul3A_145 : vector<16xf32>
      %mul3A_147 = arith.constant 3 : i32
      %mul3A_148 = vector.broadcast %mul3A_147 : i32 to vector<16xi32>
      %mul3A_149 = arith.muli %add3A_111, %mul3A_148 : vector<16xi32>
      %add3A_150 = arith.constant 2 : i32
      %add3A_151 = vector.broadcast %add3A_150 : i32 to vector<16xi32>
      %add3A_152 = arith.addi %mul3A_149, %add3A_151 : vector<16xi32>
      %gather3A_153 = tpu.vector_load_idx %arg10[%add3A_152] : memref<768xf32, #tpu.memory_space<vmem>>[vector<16xi32>], vector<16xf32>,
      %mul3A_154 = arith.constant 3 : i32
      %mul3A_155 = vector.broadcast %mul3A_154 : i32 to vector<16xi32>
      %mul3A_156 = arith.muli %gather3A, %mul3A_155 : vector<16xi32>
      %add3A_157 = arith.constant 2 : i32
      %add3A_158 = vector.broadcast %add3A_157 : i32 to vector<16xi32>
      %add3A_159 = arith.addi %mul3A_156, %add3A_158 : vector<16xi32>
      %gather3A_160 = tpu.vector_load_idx %arg12[%add3A_159] : memref<768xf32, #tpu.memory_space<vmem>>[vector<16xi32>], vector<16xf32>,
      %sub3A_161 = arith.subf %gather3A_153, %gather3A_160 : vector<16xf32>
      %mul3A_162 = arith.mulf %sub3A_161, %sub3A_161 : vector<16xf32>
      %add3A_163 = arith.addf %add3A_146, %mul3A_162 : vector<16xf32>
      %max3A = arith.constant 1.000000e-30 : f32
      %max3A_164 = vector.broadcast %max3A : f32 to vector<16xf32>
      %max3A_165 = arith.maximumf %add3A_163, %max3A_164 : vector<16xf32>
      %bitcast_convert_type3A = tpu.bitcast %max3A_165 : vector<16xf32> -> vector<16xi32>
      %shift_right_arithmetic3A = arith.constant 1 : i32
      %shift_right_arithmetic3A_166 = vector.broadcast %shift_right_arithmetic3A : i32 to vector<16xi32>
      %shift_right_arithmetic3A_167 = arith.shrsi %bitcast_convert_type3A, %shift_right_arithmetic3A_166 : vector<16xi32>
      %sub3A_168 = arith.constant 1597463007 : i32
      %sub3A_169 = vector.broadcast %sub3A_168 : i32 to vector<16xi32>
      %sub3A_170 = arith.subi %sub3A_169, %shift_right_arithmetic3A_167 : vector<16xi32>
      %bitcast_convert_type3A_171 = tpu.bitcast %sub3A_170 : vector<16xi32> -> vector<16xf32>
      %mul3A_172 = arith.constant 5.000000e-01 : f32
      %mul3A_173 = vector.broadcast %mul3A_172 : f32 to vector<16xf32>
      %mul3A_174 = arith.mulf %mul3A_173, %max3A_165 : vector<16xf32>
      %mul3A_175 = arith.mulf %mul3A_174, %bitcast_convert_type3A_171 : vector<16xf32>
      %mul3A_176 = arith.mulf %mul3A_175, %bitcast_convert_type3A_171 : vector<16xf32>
      %sub3A_177 = arith.constant 1.500000e+00 : f32
      %sub3A_178 = vector.broadcast %sub3A_177 : f32 to vector<16xf32>
      %sub3A_179 = arith.subf %sub3A_178, %mul3A_176 : vector<16xf32>
      %mul3A_180 = arith.mulf %bitcast_convert_type3A_171, %sub3A_179 : vector<16xf32>
      %mul3A_181 = arith.constant 5.000000e-01 : f32
      %mul3A_182 = vector.broadcast %mul3A_181 : f32 to vector<16xf32>
      %mul3A_183 = arith.mulf %mul3A_182, %max3A_165 : vector<16xf32>
      %mul3A_184 = arith.mulf %mul3A_183, %mul3A_180 : vector<16xf32>
      %mul3A_185 = arith.mulf %mul3A_184, %mul3A_180 : vector<16xf32>
      %sub3A_186 = arith.constant 1.500000e+00 : f32
      %sub3A_187 = vector.broadcast %sub3A_186 : f32 to vector<16xf32>
      %sub3A_188 = arith.subf %sub3A_187, %mul3A_185 : vector<16xf32>
      %mul3A_189 = arith.mulf %mul3A_180, %sub3A_188 : vector<16xf32>
      %mul3A_190 = arith.constant 5.000000e-01 : f32
      %mul3A_191 = vector.broadcast %mul3A_190 : f32 to vector<16xf32>
      %mul3A_192 = arith.mulf %mul3A_191, %max3A_165 : vector<16xf32>
      %mul3A_193 = arith.mulf %mul3A_192, %mul3A_189 : vector<16xf32>
      %mul3A_194 = arith.mulf %mul3A_193, %mul3A_189 : vector<16xf32>
      %sub3A_195 = arith.constant 1.500000e+00 : f32
      %sub3A_196 = vector.broadcast %sub3A_195 : f32 to vector<16xf32>
      %sub3A_197 = arith.subf %sub3A_196, %mul3A_194 : vector<16xf32>
      %mul3A_198 = arith.mulf %mul3A_189, %sub3A_197 : vector<16xf32>
      %mul3A_199 = arith.mulf %max3A_165, %mul3A_198 : vector<16xf32>
      %mul3A_200 = arith.constant 16 : i32
      %mul3A_201 = arith.muli %scan3A_107, %mul3A_200 : i32
      %swap3A = arith.index_cast %mul3A_201 : i32 to index
      %swap3A_202 = tpu.vector_load %arg15[%swap3A] {strides = array<i32>} : memref<256xf32, #tpu.memory_space<vmem>>, vector<16xf32>,
      tpu.vector_store %arg15[%swap3A], %mul3A_199 {strides = array<i32>} : memref<256xf32, #tpu.memory_space<vmem>>, vector<16xf32>,
    }
    %scan3A_77 = arith.constant 16 : i32
    %scan3A_78 = arith.constant 0 : i32
    %scan3A_79 = arith.constant 256 : i32
    %scan3A_80 = arith.addi %scan3A_78, %scan3A_79 : i32
    %scan3A_81 = arith.constant 1 : i32
    scf.for %scan3A_107 = %scan3A_78 to %scan3A_80 step %scan3A_81  : i32 {
      %get3A = arith.index_cast %scan3A_107 : i32 to index
      %get3A_108 = arith.constant 0 : index
      %get3A_109 = tpu.vector_load %arg14[%get3A, %get3A_108] {strides = array<i32>} : memref<256x16xi32, #tpu.memory_space<vmem>>, vector<16xi32>,
      %mul3A_110 = arith.constant 3 : i32
      %mul3A_111 = vector.broadcast %mul3A_110 : i32 to vector<16xi32>
      %mul3A_112 = arith.muli %get3A_109, %mul3A_111 : vector<16xi32>
      %add3A_113 = arith.constant 0 : i32
      %add3A_114 = vector.broadcast %add3A_113 : i32 to vector<16xi32>
      %add3A_115 = arith.addi %mul3A_112, %add3A_114 : vector<16xi32>
      %gather3A = tpu.vector_load_idx %arg9[%add3A_115] : memref<12288xf32, #tpu.memory_space<vmem>>[vector<16xi32>], vector<16xf32>,
      %mul3A_116 = arith.constant 3 : i32
      %mul3A_117 = arith.muli %scan3A_107, %mul3A_116 : i32
      %add3A_118 = arith.constant 0 : i32
      %add3A_119 = arith.addi %mul3A_117, %add3A_118 : i32
      %broadcast_in_dim3A = vector.broadcast %add3A_119 : i32 to vector<16xi32>
      %gather3A_120 = tpu.vector_load_idx %arg10[%broadcast_in_dim3A] : memref<768xf32, #tpu.memory_space<vmem>>[vector<16xi32>], vector<16xf32>,
      %sub3A_121 = arith.subf %gather3A_120, %gather3A : vector<16xf32>
      %abs3A = math.absf %sub3A_121 : vector<16xf32>
      %mul3A_122 = arith.constant 3 : i32
      %mul3A_123 = vector.broadcast %mul3A_122 : i32 to vector<16xi32>
      %mul3A_124 = arith.muli %get3A_109, %mul3A_123 : vector<16xi32>
      %add3A_125 = arith.constant 1 : i32
      %add3A_126 = vector.broadcast %add3A_125 : i32 to vector<16xi32>
      %add3A_127 = arith.addi %mul3A_124, %add3A_126 : vector<16xi32>
      %gather3A_128 = tpu.vector_load_idx %arg9[%add3A_127] : memref<12288xf32, #tpu.memory_space<vmem>>[vector<16xi32>], vector<16xf32>,
      %mul3A_129 = arith.constant 3 : i32
      %mul3A_130 = arith.muli %scan3A_107, %mul3A_129 : i32
      %add3A_131 = arith.constant 1 : i32
      %add3A_132 = arith.addi %mul3A_130, %add3A_131 : i32
      %broadcast_in_dim3A_133 = vector.broadcast %add3A_132 : i32 to vector<16xi32>
      %gather3A_134 = tpu.vector_load_idx %arg10[%broadcast_in_dim3A_133] : memref<768xf32, #tpu.memory_space<vmem>>[vector<16xi32>], vector<16xf32>,
      %sub3A_135 = arith.subf %gather3A_134, %gather3A_128 : vector<16xf32>
      %abs3A_136 = math.absf %sub3A_135 : vector<16xf32>
      %mul3A_137 = arith.constant 3 : i32
      %mul3A_138 = vector.broadcast %mul3A_137 : i32 to vector<16xi32>
      %mul3A_139 = arith.muli %get3A_109, %mul3A_138 : vector<16xi32>
      %add3A_140 = arith.constant 2 : i32
      %add3A_141 = vector.broadcast %add3A_140 : i32 to vector<16xi32>
      %add3A_142 = arith.addi %mul3A_139, %add3A_141 : vector<16xi32>
      %gather3A_143 = tpu.vector_load_idx %arg9[%add3A_142] : memref<12288xf32, #tpu.memory_space<vmem>>[vector<16xi32>], vector<16xf32>,
      %mul3A_144 = arith.constant 3 : i32
      %mul3A_145 = arith.muli %scan3A_107, %mul3A_144 : i32
      %add3A_146 = arith.constant 2 : i32
      %add3A_147 = arith.addi %mul3A_145, %add3A_146 : i32
      %broadcast_in_dim3A_148 = vector.broadcast %add3A_147 : i32 to vector<16xi32>
      %gather3A_149 = tpu.vector_load_idx %arg10[%broadcast_in_dim3A_148] : memref<768xf32, #tpu.memory_space<vmem>>[vector<16xi32>], vector<16xf32>,
      %sub3A_150 = arith.subf %gather3A_149, %gather3A_143 : vector<16xf32>
      %abs3A_151 = math.absf %sub3A_150 : vector<16xf32>
      %gather3A_152 = tpu.vector_load_idx %arg11[%get3A_109] : memref<4096xi32, #tpu.memory_space<vmem>>[vector<16xi32>], vector<16xi32>,
      %mul3A_153 = arith.constant 3 : i32
      %mul3A_154 = vector.broadcast %mul3A_153 : i32 to vector<16xi32>
      %mul3A_155 = arith.muli %gather3A_152, %mul3A_154 : vector<16xi32>
      %add3A_156 = arith.constant 0 : i32
      %add3A_157 = vector.broadcast %add3A_156 : i32 to vector<16xi32>
      %add3A_158 = arith.addi %mul3A_155, %add3A_157 : vector<16xi32>
      %gather3A_159 = tpu.vector_load_idx %arg12[%add3A_158] : memref<768xf32, #tpu.memory_space<vmem>>[vector<16xi32>], vector<16xf32>,
      %sub3A_160 = arith.subf %gather3A, %gather3A_159 : vector<16xf32>
      %mul3A_161 = arith.mulf %sub3A_160, %sub3A_160 : vector<16xf32>
      %mul3A_162 = arith.constant 3 : i32
      %mul3A_163 = vector.broadcast %mul3A_162 : i32 to vector<16xi32>
      %mul3A_164 = arith.muli %gather3A_152, %mul3A_163 : vector<16xi32>
      %add3A_165 = arith.constant 1 : i32
      %add3A_166 = vector.broadcast %add3A_165 : i32 to vector<16xi32>
      %add3A_167 = arith.addi %mul3A_164, %add3A_166 : vector<16xi32>
      %gather3A_168 = tpu.vector_load_idx %arg12[%add3A_167] : memref<768xf32, #tpu.memory_space<vmem>>[vector<16xi32>], vector<16xf32>,
      %sub3A_169 = arith.subf %gather3A_128, %gather3A_168 : vector<16xf32>
      %mul3A_170 = arith.mulf %sub3A_169, %sub3A_169 : vector<16xf32>
      %add3A_171 = arith.addf %mul3A_161, %mul3A_170 : vector<16xf32>
      %mul3A_172 = arith.constant 3 : i32
      %mul3A_173 = vector.broadcast %mul3A_172 : i32 to vector<16xi32>
      %mul3A_174 = arith.muli %gather3A_152, %mul3A_173 : vector<16xi32>
      %add3A_175 = arith.constant 2 : i32
      %add3A_176 = vector.broadcast %add3A_175 : i32 to vector<16xi32>
      %add3A_177 = arith.addi %mul3A_174, %add3A_176 : vector<16xi32>
      %gather3A_178 = tpu.vector_load_idx %arg12[%add3A_177] : memref<768xf32, #tpu.memory_space<vmem>>[vector<16xi32>], vector<16xf32>,
      %sub3A_179 = arith.subf %gather3A_143, %gather3A_178 : vector<16xf32>
      %mul3A_180 = arith.mulf %sub3A_179, %sub3A_179 : vector<16xf32>
      %add3A_181 = arith.addf %add3A_171, %mul3A_180 : vector<16xf32>
      %max3A = arith.constant 1.000000e-30 : f32
      %max3A_182 = vector.broadcast %max3A : f32 to vector<16xf32>
      %max3A_183 = arith.maximumf %add3A_181, %max3A_182 : vector<16xf32>
      %bitcast_convert_type3A = tpu.bitcast %max3A_183 : vector<16xf32> -> vector<16xi32>
      %shift_right_arithmetic3A = arith.constant 1 : i32
      %shift_right_arithmetic3A_184 = vector.broadcast %shift_right_arithmetic3A : i32 to vector<16xi32>
      %shift_right_arithmetic3A_185 = arith.shrsi %bitcast_convert_type3A, %shift_right_arithmetic3A_184 : vector<16xi32>
      %sub3A_186 = arith.constant 1597463007 : i32
      %sub3A_187 = vector.broadcast %sub3A_186 : i32 to vector<16xi32>
      %sub3A_188 = arith.subi %sub3A_187, %shift_right_arithmetic3A_185 : vector<16xi32>
      %bitcast_convert_type3A_189 = tpu.bitcast %sub3A_188 : vector<16xi32> -> vector<16xf32>
      %mul3A_190 = arith.constant 5.000000e-01 : f32
      %mul3A_191 = vector.broadcast %mul3A_190 : f32 to vector<16xf32>
      %mul3A_192 = arith.mulf %mul3A_191, %max3A_183 : vector<16xf32>
      %mul3A_193 = arith.mulf %mul3A_192, %bitcast_convert_type3A_189 : vector<16xf32>
      %mul3A_194 = arith.mulf %mul3A_193, %bitcast_convert_type3A_189 : vector<16xf32>
      %sub3A_195 = arith.constant 1.500000e+00 : f32
      %sub3A_196 = vector.broadcast %sub3A_195 : f32 to vector<16xf32>
      %sub3A_197 = arith.subf %sub3A_196, %mul3A_194 : vector<16xf32>
      %mul3A_198 = arith.mulf %bitcast_convert_type3A_189, %sub3A_197 : vector<16xf32>
      %mul3A_199 = arith.constant 5.000000e-01 : f32
      %mul3A_200 = vector.broadcast %mul3A_199 : f32 to vector<16xf32>
      %mul3A_201 = arith.mulf %mul3A_200, %max3A_183 : vector<16xf32>
      %mul3A_202 = arith.mulf %mul3A_201, %mul3A_198 : vector<16xf32>
      %mul3A_203 = arith.mulf %mul3A_202, %mul3A_198 : vector<16xf32>
      %sub3A_204 = arith.constant 1.500000e+00 : f32
      %sub3A_205 = vector.broadcast %sub3A_204 : f32 to vector<16xf32>
      %sub3A_206 = arith.subf %sub3A_205, %mul3A_203 : vector<16xf32>
      %mul3A_207 = arith.mulf %mul3A_198, %sub3A_206 : vector<16xf32>
      %mul3A_208 = arith.constant 5.000000e-01 : f32
      %mul3A_209 = vector.broadcast %mul3A_208 : f32 to vector<16xf32>
      %mul3A_210 = arith.mulf %mul3A_209, %max3A_183 : vector<16xf32>
      %mul3A_211 = arith.mulf %mul3A_210, %mul3A_207 : vector<16xf32>
      %mul3A_212 = arith.mulf %mul3A_211, %mul3A_207 : vector<16xf32>
      %sub3A_213 = arith.constant 1.500000e+00 : f32
      %sub3A_214 = vector.broadcast %sub3A_213 : f32 to vector<16xf32>
      %sub3A_215 = arith.subf %sub3A_214, %mul3A_212 : vector<16xf32>
      %mul3A_216 = arith.mulf %mul3A_207, %sub3A_215 : vector<16xf32>
      %mul3A_217 = arith.mulf %max3A_183, %mul3A_216 : vector<16xf32>
      %add3A_218 = arith.addi %scan3A_107, %add3A_70 : i32
      %broadcast_in_dim3A_219 = vector.broadcast %add3A_218 : i32 to vector<16xi32>
      %gather3A_220 = tpu.vector_load_idx %arg11[%broadcast_in_dim3A_219] : memref<4096xi32, #tpu.memory_space<vmem>>[vector<16xi32>], vector<16xi32>,
      %gather3A_221 = tpu.vector_load_idx %arg13[%gather3A_220, %gather3A_152] : memref<256x256xf32, #tpu.memory_space<vmem>>[vector<16xi32>, vector<16xi32>], vector<16xf32>,
      %broadcast_in_dim3A_222 = vector.broadcast %scan3A_107 : i32 to vector<16xi32>
      %gather3A_223 = tpu.vector_load_idx %arg15[%broadcast_in_dim3A_222] : memref<256xf32, #tpu.memory_space<vmem>>[vector<16xi32>], vector<16xf32>,
      %add3A_224 = arith.addf %gather3A_223, %gather3A_221 : vector<16xf32>
      %add3A_225 = arith.addf %add3A_224, %mul3A_217 : vector<16xf32>
      %mul3A_226 = arith.constant 16 : i32
      %mul3A_227 = arith.muli %scan3A_107, %mul3A_226 : i32
      %swap3A = arith.constant 0 : i32
      %swap3A_228 = arith.index_cast %swap3A : i32 to index
      %swap3A_229 = arith.index_cast %mul3A_227 : i32 to index
      %swap3A_230 = tpu.vector_load %arg16[%swap3A_228, %swap3A_229] {strides = array<i32>} : memref<6x4096xf32, #tpu.memory_space<vmem>>, vector<16xf32>,
      tpu.vector_store %arg16[%swap3A_228, %swap3A_229], %abs3A {strides = array<i32>} : memref<6x4096xf32, #tpu.memory_space<vmem>>, vector<16xf32>,
      %mul3A_231 = arith.constant 16 : i32
      %mul3A_232 = arith.muli %scan3A_107, %mul3A_231 : i32
      %swap3A_233 = arith.constant 1 : i32
      %swap3A_234 = arith.index_cast %swap3A_233 : i32 to index
      %swap3A_235 = arith.index_cast %mul3A_232 : i32 to index
      %swap3A_236 = tpu.vector_load %arg16[%swap3A_234, %swap3A_235] {strides = array<i32>} : memref<6x4096xf32, #tpu.memory_space<vmem>>, vector<16xf32>,
      tpu.vector_store %arg16[%swap3A_234, %swap3A_235], %abs3A_136 {strides = array<i32>} : memref<6x4096xf32, #tpu.memory_space<vmem>>, vector<16xf32>,
      %mul3A_237 = arith.constant 16 : i32
      %mul3A_238 = arith.muli %scan3A_107, %mul3A_237 : i32
      %swap3A_239 = arith.constant 2 : i32
      %swap3A_240 = arith.index_cast %swap3A_239 : i32 to index
      %swap3A_241 = arith.index_cast %mul3A_238 : i32 to index
      %swap3A_242 = tpu.vector_load %arg16[%swap3A_240, %swap3A_241] {strides = array<i32>} : memref<6x4096xf32, #tpu.memory_space<vmem>>, vector<16xf32>,
      tpu.vector_store %arg16[%swap3A_240, %swap3A_241], %abs3A_151 {strides = array<i32>} : memref<6x4096xf32, #tpu.memory_space<vmem>>, vector<16xf32>,
      %mul3A_243 = arith.constant 16 : i32
      %mul3A_244 = arith.muli %scan3A_107, %mul3A_243 : i32
      %swap3A_245 = arith.constant 3 : i32
      %swap3A_246 = arith.index_cast %swap3A_245 : i32 to index
      %swap3A_247 = arith.index_cast %mul3A_244 : i32 to index
      %swap3A_248 = tpu.vector_load %arg16[%swap3A_246, %swap3A_247] {strides = array<i32>} : memref<6x4096xf32, #tpu.memory_space<vmem>>, vector<16xf32>,
      tpu.vector_store %arg16[%swap3A_246, %swap3A_247], %add3A_225 {strides = array<i32>} : memref<6x4096xf32, #tpu.memory_space<vmem>>, vector<16xf32>,
      %mul3A_249 = arith.constant 16 : i32
      %mul3A_250 = arith.muli %scan3A_107, %mul3A_249 : i32
      %swap3A_251 = arith.constant 4 : i32
      %swap3A_252 = arith.index_cast %swap3A_251 : i32 to index
      %swap3A_253 = arith.index_cast %mul3A_250 : i32 to index
      %swap3A_254 = tpu.vector_load %arg16[%swap3A_252, %swap3A_253] {strides = array<i32>} : memref<6x4096xf32, #tpu.memory_space<vmem>>, vector<16xf32>,
      tpu.vector_store %arg16[%swap3A_252, %swap3A_253], %add3A_225 {strides = array<i32>} : memref<6x4096xf32, #tpu.memory_space<vmem>>, vector<16xf32>,
      %mul3A_255 = arith.constant 16 : i32
      %mul3A_256 = arith.muli %scan3A_107, %mul3A_255 : i32
      %swap3A_257 = arith.constant 5 : i32
      %swap3A_258 = arith.index_cast %swap3A_257 : i32 to index
      %swap3A_259 = arith.index_cast %mul3A_256 : i32 to index
      %swap3A_260 = tpu.vector_load %arg16[%swap3A_258, %swap3A_259] {strides = array<i32>} : memref<6x4096xf32, #tpu.memory_space<vmem>>, vector<16xf32>,
      tpu.vector_store %arg16[%swap3A_258, %swap3A_259], %add3A_225 {strides = array<i32>} : memref<6x4096xf32, #tpu.memory_space<vmem>>, vector<16xf32>,
    }
    %scan3A_82 = arith.constant 256 : i32
    %mul3A_83 = arith.constant 16 : i32
    %mul3A_84 = arith.muli %add3A_70, %mul3A_83 : i32
    %run_scoped3A_85 = arith.constant 0 : i32
    %run_scoped3A_86 = arith.constant 0 : i32
    "tpu.region"() ({
      %run_scoped3A_107 = tpu.sem_alloc : memref<!tpu.dma_semaphore, #tpu.memory_space<semaphore_mem>>
      %dma_start3A = arith.constant 0 : i32
      %dma_start3A_108 = tpu.memref_slice %arg16[%run_scoped3A_85, %dma_start3A] : memref<6x4096xf32, #tpu.memory_space<vmem>> -> memref<1x4096xf32, #tpu.memory_space<vmem>>
      %dma_start3A_109 = tpu.memref_squeeze %dma_start3A_108 : memref<1x4096xf32, #tpu.memory_space<vmem>> -> memref<4096xf32, #tpu.memory_space<vmem>>
      %dma_start3A_110 = tpu.memref_slice %arg8[%select_n3A, %run_scoped3A_86, %mul3A_84] : memref<4x6x65536xf32, #tpu.memory_space<hbm>> -> memref<1x1x4096xf32, #tpu.memory_space<hbm>>
      %dma_start3A_111 = tpu.memref_squeeze %dma_start3A_110 : memref<1x1x4096xf32, #tpu.memory_space<hbm>> -> memref<4096xf32, #tpu.memory_space<hbm>>
      %dma_start3A_112 = tpu.memref_slice %arg8[%select_n3A, %run_scoped3A_86, %mul3A_84] : memref<4x6x65536xf32, #tpu.memory_space<hbm>> -> memref<1x1x4096xf32, #tpu.memory_space<hbm>>
      %dma_start3A_113 = tpu.memref_squeeze %dma_start3A_112 : memref<1x1x4096xf32, #tpu.memory_space<hbm>> -> memref<4096xf32, #tpu.memory_space<hbm>>
      %dma_start3A_114 = arith.constant 0 : i32
      %dma_start3A_115 = tpu.memref_slice %arg16[%run_scoped3A_85, %dma_start3A_114] : memref<6x4096xf32, #tpu.memory_space<vmem>> -> memref<1x4096xf32, #tpu.memory_space<vmem>>
      %dma_start3A_116 = tpu.memref_squeeze %dma_start3A_115 : memref<1x4096xf32, #tpu.memory_space<vmem>> -> memref<4096xf32, #tpu.memory_space<vmem>>
      tpu.enqueue_dma source(%dma_start3A_116 : memref<4096xf32, #tpu.memory_space<vmem>>) target(%dma_start3A_113 : memref<4096xf32, #tpu.memory_space<hbm>>) target_semaphore(%run_scoped3A_107 : memref<!tpu.dma_semaphore, #tpu.memory_space<semaphore_mem>>)
      %dma_wait3A = arith.constant 0 : i32
      %dma_wait3A_117 = tpu.memref_slice %arg16[%run_scoped3A_85, %dma_wait3A] : memref<6x4096xf32, #tpu.memory_space<vmem>> -> memref<1x4096xf32, #tpu.memory_space<vmem>>
      %dma_wait3A_118 = tpu.memref_squeeze %dma_wait3A_117 : memref<1x4096xf32, #tpu.memory_space<vmem>> -> memref<4096xf32, #tpu.memory_space<vmem>>
      %dma_wait3A_119 = tpu.memref_slice %arg8[%select_n3A, %run_scoped3A_86, %mul3A_84] : memref<4x6x65536xf32, #tpu.memory_space<hbm>> -> memref<1x1x4096xf32, #tpu.memory_space<hbm>>
      %dma_wait3A_120 = tpu.memref_squeeze %dma_wait3A_119 : memref<1x1x4096xf32, #tpu.memory_space<hbm>> -> memref<4096xf32, #tpu.memory_space<hbm>>
      %dma_wait3A_121 = tpu.memref_slice %arg8[%select_n3A, %run_scoped3A_86, %mul3A_84] : memref<4x6x65536xf32, #tpu.memory_space<hbm>> -> memref<1x1x4096xf32, #tpu.memory_space<hbm>>
      %dma_wait3A_122 = tpu.memref_squeeze %dma_wait3A_121 : memref<1x1x4096xf32, #tpu.memory_space<hbm>> -> memref<4096xf32, #tpu.memory_space<hbm>>
      %dma_wait3A_123 = arith.constant 0 : i32
      %dma_wait3A_124 = tpu.memref_slice %arg16[%run_scoped3A_85, %dma_wait3A_123] : memref<6x4096xf32, #tpu.memory_space<vmem>> -> memref<1x4096xf32, #tpu.memory_space<vmem>>
      %dma_wait3A_125 = tpu.memref_squeeze %dma_wait3A_124 : memref<1x4096xf32, #tpu.memory_space<vmem>> -> memref<4096xf32, #tpu.memory_space<vmem>>
      tpu.wait_dma2 semaphore(%run_scoped3A_107 : memref<!tpu.dma_semaphore, #tpu.memory_space<semaphore_mem>>) src(%dma_wait3A_125 : memref<4096xf32, #tpu.memory_space<vmem>>) dst(%dma_wait3A_122 : memref<4096xf32, #tpu.memory_space<hbm>>)
      tpu.yield
    }) : () -> ()
    %mul3A_87 = arith.constant 16 : i32
    %mul3A_88 = arith.muli %add3A_70, %mul3A_87 : i32
    %run_scoped3A_89 = arith.constant 1 : i32
    %run_scoped3A_90 = arith.constant 1 : i32
    "tpu.region"() ({
      %run_scoped3A_107 = tpu.sem_alloc : memref<!tpu.dma_semaphore, #tpu.memory_space<semaphore_mem>>
      %dma_start3A = arith.constant 0 : i32
      %dma_start3A_108 = tpu.memref_slice %arg16[%run_scoped3A_89, %dma_start3A] : memref<6x4096xf32, #tpu.memory_space<vmem>> -> memref<1x4096xf32, #tpu.memory_space<vmem>>
      %dma_start3A_109 = tpu.memref_squeeze %dma_start3A_108 : memref<1x4096xf32, #tpu.memory_space<vmem>> -> memref<4096xf32, #tpu.memory_space<vmem>>
      %dma_start3A_110 = tpu.memref_slice %arg8[%select_n3A, %run_scoped3A_90, %mul3A_88] : memref<4x6x65536xf32, #tpu.memory_space<hbm>> -> memref<1x1x4096xf32, #tpu.memory_space<hbm>>
      %dma_start3A_111 = tpu.memref_squeeze %dma_start3A_110 : memref<1x1x4096xf32, #tpu.memory_space<hbm>> -> memref<4096xf32, #tpu.memory_space<hbm>>
      %dma_start3A_112 = tpu.memref_slice %arg8[%select_n3A, %run_scoped3A_90, %mul3A_88] : memref<4x6x65536xf32, #tpu.memory_space<hbm>> -> memref<1x1x4096xf32, #tpu.memory_space<hbm>>
      %dma_start3A_113 = tpu.memref_squeeze %dma_start3A_112 : memref<1x1x4096xf32, #tpu.memory_space<hbm>> -> memref<4096xf32, #tpu.memory_space<hbm>>
      %dma_start3A_114 = arith.constant 0 : i32
      %dma_start3A_115 = tpu.memref_slice %arg16[%run_scoped3A_89, %dma_start3A_114] : memref<6x4096xf32, #tpu.memory_space<vmem>> -> memref<1x4096xf32, #tpu.memory_space<vmem>>
      %dma_start3A_116 = tpu.memref_squeeze %dma_start3A_115 : memref<1x4096xf32, #tpu.memory_space<vmem>> -> memref<4096xf32, #tpu.memory_space<vmem>>
      tpu.enqueue_dma source(%dma_start3A_116 : memref<4096xf32, #tpu.memory_space<vmem>>) target(%dma_start3A_113 : memref<4096xf32, #tpu.memory_space<hbm>>) target_semaphore(%run_scoped3A_107 : memref<!tpu.dma_semaphore, #tpu.memory_space<semaphore_mem>>)
      %dma_wait3A = arith.constant 0 : i32
      %dma_wait3A_117 = tpu.memref_slice %arg16[%run_scoped3A_89, %dma_wait3A] : memref<6x4096xf32, #tpu.memory_space<vmem>> -> memref<1x4096xf32, #tpu.memory_space<vmem>>
      %dma_wait3A_118 = tpu.memref_squeeze %dma_wait3A_117 : memref<1x4096xf32, #tpu.memory_space<vmem>> -> memref<4096xf32, #tpu.memory_space<vmem>>
      %dma_wait3A_119 = tpu.memref_slice %arg8[%select_n3A, %run_scoped3A_90, %mul3A_88] : memref<4x6x65536xf32, #tpu.memory_space<hbm>> -> memref<1x1x4096xf32, #tpu.memory_space<hbm>>
      %dma_wait3A_120 = tpu.memref_squeeze %dma_wait3A_119 : memref<1x1x4096xf32, #tpu.memory_space<hbm>> -> memref<4096xf32, #tpu.memory_space<hbm>>
      %dma_wait3A_121 = tpu.memref_slice %arg8[%select_n3A, %run_scoped3A_90, %mul3A_88] : memref<4x6x65536xf32, #tpu.memory_space<hbm>> -> memref<1x1x4096xf32, #tpu.memory_space<hbm>>
      %dma_wait3A_122 = tpu.memref_squeeze %dma_wait3A_121 : memref<1x1x4096xf32, #tpu.memory_space<hbm>> -> memref<4096xf32, #tpu.memory_space<hbm>>
      %dma_wait3A_123 = arith.constant 0 : i32
      %dma_wait3A_124 = tpu.memref_slice %arg16[%run_scoped3A_89, %dma_wait3A_123] : memref<6x4096xf32, #tpu.memory_space<vmem>> -> memref<1x4096xf32, #tpu.memory_space<vmem>>
      %dma_wait3A_125 = tpu.memref_squeeze %dma_wait3A_124 : memref<1x4096xf32, #tpu.memory_space<vmem>> -> memref<4096xf32, #tpu.memory_space<vmem>>
      tpu.wait_dma2 semaphore(%run_scoped3A_107 : memref<!tpu.dma_semaphore, #tpu.memory_space<semaphore_mem>>) src(%dma_wait3A_125 : memref<4096xf32, #tpu.memory_space<vmem>>) dst(%dma_wait3A_122 : memref<4096xf32, #tpu.memory_space<hbm>>)
      tpu.yield
    }) : () -> ()
    %mul3A_91 = arith.constant 16 : i32
    %mul3A_92 = arith.muli %add3A_70, %mul3A_91 : i32
    %run_scoped3A_93 = arith.constant 2 : i32
    %run_scoped3A_94 = arith.constant 2 : i32
    "tpu.region"() ({
      %run_scoped3A_107 = tpu.sem_alloc : memref<!tpu.dma_semaphore, #tpu.memory_space<semaphore_mem>>
      %dma_start3A = arith.constant 0 : i32
      %dma_start3A_108 = tpu.memref_slice %arg16[%run_scoped3A_93, %dma_start3A] : memref<6x4096xf32, #tpu.memory_space<vmem>> -> memref<1x4096xf32, #tpu.memory_space<vmem>>
      %dma_start3A_109 = tpu.memref_squeeze %dma_start3A_108 : memref<1x4096xf32, #tpu.memory_space<vmem>> -> memref<4096xf32, #tpu.memory_space<vmem>>
      %dma_start3A_110 = tpu.memref_slice %arg8[%select_n3A, %run_scoped3A_94, %mul3A_92] : memref<4x6x65536xf32, #tpu.memory_space<hbm>> -> memref<1x1x4096xf32, #tpu.memory_space<hbm>>
      %dma_start3A_111 = tpu.memref_squeeze %dma_start3A_110 : memref<1x1x4096xf32, #tpu.memory_space<hbm>> -> memref<4096xf32, #tpu.memory_space<hbm>>
      %dma_start3A_112 = tpu.memref_slice %arg8[%select_n3A, %run_scoped3A_94, %mul3A_92] : memref<4x6x65536xf32, #tpu.memory_space<hbm>> -> memref<1x1x4096xf32, #tpu.memory_space<hbm>>
      %dma_start3A_113 = tpu.memref_squeeze %dma_start3A_112 : memref<1x1x4096xf32, #tpu.memory_space<hbm>> -> memref<4096xf32, #tpu.memory_space<hbm>>
      %dma_start3A_114 = arith.constant 0 : i32
      %dma_start3A_115 = tpu.memref_slice %arg16[%run_scoped3A_93, %dma_start3A_114] : memref<6x4096xf32, #tpu.memory_space<vmem>> -> memref<1x4096xf32, #tpu.memory_space<vmem>>
      %dma_start3A_116 = tpu.memref_squeeze %dma_start3A_115 : memref<1x4096xf32, #tpu.memory_space<vmem>> -> memref<4096xf32, #tpu.memory_space<vmem>>
      tpu.enqueue_dma source(%dma_start3A_116 : memref<4096xf32, #tpu.memory_space<vmem>>) target(%dma_start3A_113 : memref<4096xf32, #tpu.memory_space<hbm>>) target_semaphore(%run_scoped3A_107 : memref<!tpu.dma_semaphore, #tpu.memory_space<semaphore_mem>>)
      %dma_wait3A = arith.constant 0 : i32
      %dma_wait3A_117 = tpu.memref_slice %arg16[%run_scoped3A_93, %dma_wait3A] : memref<6x4096xf32, #tpu.memory_space<vmem>> -> memref<1x4096xf32, #tpu.memory_space<vmem>>
      %dma_wait3A_118 = tpu.memref_squeeze %dma_wait3A_117 : memref<1x4096xf32, #tpu.memory_space<vmem>> -> memref<4096xf32, #tpu.memory_space<vmem>>
      %dma_wait3A_119 = tpu.memref_slice %arg8[%select_n3A, %run_scoped3A_94, %mul3A_92] : memref<4x6x65536xf32, #tpu.memory_space<hbm>> -> memref<1x1x4096xf32, #tpu.memory_space<hbm>>
      %dma_wait3A_120 = tpu.memref_squeeze %dma_wait3A_119 : memref<1x1x4096xf32, #tpu.memory_space<hbm>> -> memref<4096xf32, #tpu.memory_space<hbm>>
      %dma_wait3A_121 = tpu.memref_slice %arg8[%select_n3A, %run_scoped3A_94, %mul3A_92] : memref<4x6x65536xf32, #tpu.memory_space<hbm>> -> memref<1x1x4096xf32, #tpu.memory_space<hbm>>
      %dma_wait3A_122 = tpu.memref_squeeze %dma_wait3A_121 : memref<1x1x4096xf32, #tpu.memory_space<hbm>> -> memref<4096xf32, #tpu.memory_space<hbm>>
      %dma_wait3A_123 = arith.constant 0 : i32
      %dma_wait3A_124 = tpu.memref_slice %arg16[%run_scoped3A_93, %dma_wait3A_123] : memref<6x4096xf32, #tpu.memory_space<vmem>> -> memref<1x4096xf32, #tpu.memory_space<vmem>>
      %dma_wait3A_125 = tpu.memref_squeeze %dma_wait3A_124 : memref<1x4096xf32, #tpu.memory_space<vmem>> -> memref<4096xf32, #tpu.memory_space<vmem>>
      tpu.wait_dma2 semaphore(%run_scoped3A_107 : memref<!tpu.dma_semaphore, #tpu.memory_space<semaphore_mem>>) src(%dma_wait3A_125 : memref<4096xf32, #tpu.memory_space<vmem>>) dst(%dma_wait3A_122 : memref<4096xf32, #tpu.memory_space<hbm>>)
      tpu.yield
    }) : () -> ()
    %mul3A_95 = arith.constant 16 : i32
    %mul3A_96 = arith.muli %add3A_70, %mul3A_95 : i32
    %run_scoped3A_97 = arith.constant 3 : i32
    %run_scoped3A_98 = arith.constant 3 : i32
    "tpu.region"() ({
      %run_scoped3A_107 = tpu.sem_alloc : memref<!tpu.dma_semaphore, #tpu.memory_space<semaphore_mem>>
      %dma_start3A = arith.constant 0 : i32
      %dma_start3A_108 = tpu.memref_slice %arg16[%run_scoped3A_97, %dma_start3A] : memref<6x4096xf32, #tpu.memory_space<vmem>> -> memref<1x4096xf32, #tpu.memory_space<vmem>>
      %dma_start3A_109 = tpu.memref_squeeze %dma_start3A_108 : memref<1x4096xf32, #tpu.memory_space<vmem>> -> memref<4096xf32, #tpu.memory_space<vmem>>
      %dma_start3A_110 = tpu.memref_slice %arg8[%select_n3A, %run_scoped3A_98, %mul3A_96] : memref<4x6x65536xf32, #tpu.memory_space<hbm>> -> memref<1x1x4096xf32, #tpu.memory_space<hbm>>
      %dma_start3A_111 = tpu.memref_squeeze %dma_start3A_110 : memref<1x1x4096xf32, #tpu.memory_space<hbm>> -> memref<4096xf32, #tpu.memory_space<hbm>>
      %dma_start3A_112 = tpu.memref_slice %arg8[%select_n3A, %run_scoped3A_98, %mul3A_96] : memref<4x6x65536xf32, #tpu.memory_space<hbm>> -> memref<1x1x4096xf32, #tpu.memory_space<hbm>>
      %dma_start3A_113 = tpu.memref_squeeze %dma_start3A_112 : memref<1x1x4096xf32, #tpu.memory_space<hbm>> -> memref<4096xf32, #tpu.memory_space<hbm>>
      %dma_start3A_114 = arith.constant 0 : i32
      %dma_start3A_115 = tpu.memref_slice %arg16[%run_scoped3A_97, %dma_start3A_114] : memref<6x4096xf32, #tpu.memory_space<vmem>> -> memref<1x4096xf32, #tpu.memory_space<vmem>>
      %dma_start3A_116 = tpu.memref_squeeze %dma_start3A_115 : memref<1x4096xf32, #tpu.memory_space<vmem>> -> memref<4096xf32, #tpu.memory_space<vmem>>
      tpu.enqueue_dma source(%dma_start3A_116 : memref<4096xf32, #tpu.memory_space<vmem>>) target(%dma_start3A_113 : memref<4096xf32, #tpu.memory_space<hbm>>) target_semaphore(%run_scoped3A_107 : memref<!tpu.dma_semaphore, #tpu.memory_space<semaphore_mem>>)
      %dma_wait3A = arith.constant 0 : i32
      %dma_wait3A_117 = tpu.memref_slice %arg16[%run_scoped3A_97, %dma_wait3A] : memref<6x4096xf32, #tpu.memory_space<vmem>> -> memref<1x4096xf32, #tpu.memory_space<vmem>>
      %dma_wait3A_118 = tpu.memref_squeeze %dma_wait3A_117 : memref<1x4096xf32, #tpu.memory_space<vmem>> -> memref<4096xf32, #tpu.memory_space<vmem>>
      %dma_wait3A_119 = tpu.memref_slice %arg8[%select_n3A, %run_scoped3A_98, %mul3A_96] : memref<4x6x65536xf32, #tpu.memory_space<hbm>> -> memref<1x1x4096xf32, #tpu.memory_space<hbm>>
      %dma_wait3A_120 = tpu.memref_squeeze %dma_wait3A_119 : memref<1x1x4096xf32, #tpu.memory_space<hbm>> -> memref<4096xf32, #tpu.memory_space<hbm>>
      %dma_wait3A_121 = tpu.memref_slice %arg8[%select_n3A, %run_scoped3A_98, %mul3A_96] : memref<4x6x65536xf32, #tpu.memory_space<hbm>> -> memref<1x1x4096xf32, #tpu.memory_space<hbm>>
      %dma_wait3A_122 = tpu.memref_squeeze %dma_wait3A_121 : memref<1x1x4096xf32, #tpu.memory_space<hbm>> -> memref<4096xf32, #tpu.memory_space<hbm>>
      %dma_wait3A_123 = arith.constant 0 : i32
      %dma_wait3A_124 = tpu.memref_slice %arg16[%run_scoped3A_97, %dma_wait3A_123] : memref<6x4096xf32, #tpu.memory_space<vmem>> -> memref<1x4096xf32, #tpu.memory_space<vmem>>
      %dma_wait3A_125 = tpu.memref_squeeze %dma_wait3A_124 : memref<1x4096xf32, #tpu.memory_space<vmem>> -> memref<4096xf32, #tpu.memory_space<vmem>>
      tpu.wait_dma2 semaphore(%run_scoped3A_107 : memref<!tpu.dma_semaphore, #tpu.memory_space<semaphore_mem>>) src(%dma_wait3A_125 : memref<4096xf32, #tpu.memory_space<vmem>>) dst(%dma_wait3A_122 : memref<4096xf32, #tpu.memory_space<hbm>>)
      tpu.yield
    }) : () -> ()
    %mul3A_99 = arith.constant 16 : i32
    %mul3A_100 = arith.muli %add3A_70, %mul3A_99 : i32
    %run_scoped3A_101 = arith.constant 4 : i32
    %run_scoped3A_102 = arith.constant 4 : i32
    "tpu.region"() ({
      %run_scoped3A_107 = tpu.sem_alloc : memref<!tpu.dma_semaphore, #tpu.memory_space<semaphore_mem>>
      %dma_start3A = arith.constant 0 : i32
      %dma_start3A_108 = tpu.memref_slice %arg16[%run_scoped3A_101, %dma_start3A] : memref<6x4096xf32, #tpu.memory_space<vmem>> -> memref<1x4096xf32, #tpu.memory_space<vmem>>
      %dma_start3A_109 = tpu.memref_squeeze %dma_start3A_108 : memref<1x4096xf32, #tpu.memory_space<vmem>> -> memref<4096xf32, #tpu.memory_space<vmem>>
      %dma_start3A_110 = tpu.memref_slice %arg8[%select_n3A, %run_scoped3A_102, %mul3A_100] : memref<4x6x65536xf32, #tpu.memory_space<hbm>> -> memref<1x1x4096xf32, #tpu.memory_space<hbm>>
      %dma_start3A_111 = tpu.memref_squeeze %dma_start3A_110 : memref<1x1x4096xf32, #tpu.memory_space<hbm>> -> memref<4096xf32, #tpu.memory_space<hbm>>
      %dma_start3A_112 = tpu.memref_slice %arg8[%select_n3A, %run_scoped3A_102, %mul3A_100] : memref<4x6x65536xf32, #tpu.memory_space<hbm>> -> memref<1x1x4096xf32, #tpu.memory_space<hbm>>
      %dma_start3A_113 = tpu.memref_squeeze %dma_start3A_112 : memref<1x1x4096xf32, #tpu.memory_space<hbm>> -> memref<4096xf32, #tpu.memory_space<hbm>>
      %dma_start3A_114 = arith.constant 0 : i32
      %dma_start3A_115 = tpu.memref_slice %arg16[%run_scoped3A_101, %dma_start3A_114] : memref<6x4096xf32, #tpu.memory_space<vmem>> -> memref<1x4096xf32, #tpu.memory_space<vmem>>
      %dma_start3A_116 = tpu.memref_squeeze %dma_start3A_115 : memref<1x4096xf32, #tpu.memory_space<vmem>> -> memref<4096xf32, #tpu.memory_space<vmem>>
      tpu.enqueue_dma source(%dma_start3A_116 : memref<4096xf32, #tpu.memory_space<vmem>>) target(%dma_start3A_113 : memref<4096xf32, #tpu.memory_space<hbm>>) target_semaphore(%run_scoped3A_107 : memref<!tpu.dma_semaphore, #tpu.memory_space<semaphore_mem>>)
      %dma_wait3A = arith.constant 0 : i32
      %dma_wait3A_117 = tpu.memref_slice %arg16[%run_scoped3A_101, %dma_wait3A] : memref<6x4096xf32, #tpu.memory_space<vmem>> -> memref<1x4096xf32, #tpu.memory_space<vmem>>
      %dma_wait3A_118 = tpu.memref_squeeze %dma_wait3A_117 : memref<1x4096xf32, #tpu.memory_space<vmem>> -> memref<4096xf32, #tpu.memory_space<vmem>>
      %dma_wait3A_119 = tpu.memref_slice %arg8[%select_n3A, %run_scoped3A_102, %mul3A_100] : memref<4x6x65536xf32, #tpu.memory_space<hbm>> -> memref<1x1x4096xf32, #tpu.memory_space<hbm>>
      %dma_wait3A_120 = tpu.memref_squeeze %dma_wait3A_119 : memref<1x1x4096xf32, #tpu.memory_space<hbm>> -> memref<4096xf32, #tpu.memory_space<hbm>>
      %dma_wait3A_121 = tpu.memref_slice %arg8[%select_n3A, %run_scoped3A_102, %mul3A_100] : memref<4x6x65536xf32, #tpu.memory_space<hbm>> -> memref<1x1x4096xf32, #tpu.memory_space<hbm>>
      %dma_wait3A_122 = tpu.memref_squeeze %dma_wait3A_121 : memref<1x1x4096xf32, #tpu.memory_space<hbm>> -> memref<4096xf32, #tpu.memory_space<hbm>>
      %dma_wait3A_123 = arith.constant 0 : i32
      %dma_wait3A_124 = tpu.memref_slice %arg16[%run_scoped3A_101, %dma_wait3A_123] : memref<6x4096xf32, #tpu.memory_space<vmem>> -> memref<1x4096xf32, #tpu.memory_space<vmem>>
      %dma_wait3A_125 = tpu.memref_squeeze %dma_wait3A_124 : memref<1x4096xf32, #tpu.memory_space<vmem>> -> memref<4096xf32, #tpu.memory_space<vmem>>
      tpu.wait_dma2 semaphore(%run_scoped3A_107 : memref<!tpu.dma_semaphore, #tpu.memory_space<semaphore_mem>>) src(%dma_wait3A_125 : memref<4096xf32, #tpu.memory_space<vmem>>) dst(%dma_wait3A_122 : memref<4096xf32, #tpu.memory_space<hbm>>)
      tpu.yield
    }) : () -> ()
    %mul3A_103 = arith.constant 16 : i32
    %mul3A_104 = arith.muli %add3A_70, %mul3A_103 : i32
    %run_scoped3A_105 = arith.constant 5 : i32
    %run_scoped3A_106 = arith.constant 5 : i32
    "tpu.region"() ({
      %run_scoped3A_107 = tpu.sem_alloc : memref<!tpu.dma_semaphore, #tpu.memory_space<semaphore_mem>>
      %dma_start3A = arith.constant 0 : i32
      %dma_start3A_108 = tpu.memref_slice %arg16[%run_scoped3A_105, %dma_start3A] : memref<6x4096xf32, #tpu.memory_space<vmem>> -> memref<1x4096xf32, #tpu.memory_space<vmem>>
      %dma_start3A_109 = tpu.memref_squeeze %dma_start3A_108 : memref<1x4096xf32, #tpu.memory_space<vmem>> -> memref<4096xf32, #tpu.memory_space<vmem>>
      %dma_start3A_110 = tpu.memref_slice %arg8[%select_n3A, %run_scoped3A_106, %mul3A_104] : memref<4x6x65536xf32, #tpu.memory_space<hbm>> -> memref<1x1x4096xf32, #tpu.memory_space<hbm>>
      %dma_start3A_111 = tpu.memref_squeeze %dma_start3A_110 : memref<1x1x4096xf32, #tpu.memory_space<hbm>> -> memref<4096xf32, #tpu.memory_space<hbm>>
      %dma_start3A_112 = tpu.memref_slice %arg8[%select_n3A, %run_scoped3A_106, %mul3A_104] : memref<4x6x65536xf32, #tpu.memory_space<hbm>> -> memref<1x1x4096xf32, #tpu.memory_space<hbm>>
      %dma_start3A_113 = tpu.memref_squeeze %dma_start3A_112 : memref<1x1x4096xf32, #tpu.memory_space<hbm>> -> memref<4096xf32, #tpu.memory_space<hbm>>
      %dma_start3A_114 = arith.constant 0 : i32
      %dma_start3A_115 = tpu.memref_slice %arg16[%run_scoped3A_105, %dma_start3A_114] : memref<6x4096xf32, #tpu.memory_space<vmem>> -> memref<1x4096xf32, #tpu.memory_space<vmem>>
      %dma_start3A_116 = tpu.memref_squeeze %dma_start3A_115 : memref<1x4096xf32, #tpu.memory_space<vmem>> -> memref<4096xf32, #tpu.memory_space<vmem>>
      tpu.enqueue_dma source(%dma_start3A_116 : memref<4096xf32, #tpu.memory_space<vmem>>) target(%dma_start3A_113 : memref<4096xf32, #tpu.memory_space<hbm>>) target_semaphore(%run_scoped3A_107 : memref<!tpu.dma_semaphore, #tpu.memory_space<semaphore_mem>>)
      %dma_wait3A = arith.constant 0 : i32
      %dma_wait3A_117 = tpu.memref_slice %arg16[%run_scoped3A_105, %dma_wait3A] : memref<6x4096xf32, #tpu.memory_space<vmem>> -> memref<1x4096xf32, #tpu.memory_space<vmem>>
      %dma_wait3A_118 = tpu.memref_squeeze %dma_wait3A_117 : memref<1x4096xf32, #tpu.memory_space<vmem>> -> memref<4096xf32, #tpu.memory_space<vmem>>
      %dma_wait3A_119 = tpu.memref_slice %arg8[%select_n3A, %run_scoped3A_106, %mul3A_104] : memref<4x6x65536xf32, #tpu.memory_space<hbm>> -> memref<1x1x4096xf32, #tpu.memory_space<hbm>>
      %dma_wait3A_120 = tpu.memref_squeeze %dma_wait3A_119 : memref<1x1x4096xf32, #tpu.memory_space<hbm>> -> memref<4096xf32, #tpu.memory_space<hbm>>
      %dma_wait3A_121 = tpu.memref_slice %arg8[%select_n3A, %run_scoped3A_106, %mul3A_104] : memref<4x6x65536xf32, #tpu.memory_space<hbm>> -> memref<1x1x4096xf32, #tpu.memory_space<hbm>>
      %dma_wait3A_122 = tpu.memref_squeeze %dma_wait3A_121 : memref<1x1x4096xf32, #tpu.memory_space<hbm>> -> memref<4096xf32, #tpu.memory_space<hbm>>
      %dma_wait3A_123 = arith.constant 0 : i32
      %dma_wait3A_124 = tpu.memref_slice %arg16[%run_scoped3A_105, %dma_wait3A_123] : memref<6x4096xf32, #tpu.memory_space<vmem>> -> memref<1x4096xf32, #tpu.memory_space<vmem>>
      %dma_wait3A_125 = tpu.memref_squeeze %dma_wait3A_124 : memref<1x4096xf32, #tpu.memory_space<vmem>> -> memref<4096xf32, #tpu.memory_space<vmem>>
      tpu.wait_dma2 semaphore(%run_scoped3A_107 : memref<!tpu.dma_semaphore, #tpu.memory_space<semaphore_mem>>) src(%dma_wait3A_125 : memref<4096xf32, #tpu.memory_space<vmem>>) dst(%dma_wait3A_122 : memref<4096xf32, #tpu.memory_space<hbm>>)
      tpu.yield
    }) : () -> ()
    return
  }
}

module attributes {stable_mosaic.version = 14 : i64} {
  func.func @_topk_body(%arg0: i32, %arg1: i32, %arg2: memref<1x256x3xf32, #tpu.memory_space<vmem>>, %arg3: memref<1x3x4096xf32, #tpu.memory_space<vmem>>, %arg4: memref<1x256x16xi32, #tpu.memory_space<vmem>>) attributes {dimension_semantics = [#tpu.dimension_semantics<arbitrary>, #tpu.dimension_semantics<arbitrary>], iteration_bounds = array<i64: 4, 16>, scalar_prefetch = 0 : i64, scratch_operands = 0 : i64, tpu.core_type = #tpu.core_type<tc>, window_params = [{transform_indices = @transform_0, window_bounds = array<i64: 1, 256, 3>}, {transform_indices = @transform_1, window_bounds = array<i64: 1, 3, 4096>}, {transform_indices = @transform_2, window_bounds = array<i64: 1, 256, 16>}]} {
    %get3A = arith.constant 0 : index
    %get3A_0 = arith.constant 0 : index
    %get3A_1 = arith.constant 0 : index
    %get3A_2 = vector.load %arg2[%get3A, %get3A_0, %get3A_1] : memref<1x256x3xf32, #tpu.memory_space<vmem>>, vector<1x256x3xf32>
    %get3A_3 = vector.shape_cast %get3A_2 : vector<1x256x3xf32> to vector<256x3xf32>
    %get3A_4 = arith.constant 0 : index
    %get3A_5 = arith.constant 0 : index
    %get3A_6 = arith.constant 0 : index
    %get3A_7 = vector.load %arg3[%get3A_4, %get3A_5, %get3A_6] : memref<1x3x4096xf32, #tpu.memory_space<vmem>>, vector<1x3x4096xf32>
    %get3A_8 = vector.shape_cast %get3A_7 : vector<1x3x4096xf32> to vector<3x4096xf32>
    %convert_element_type3A = arith.truncf %get3A_3 : vector<256x3xf32> to vector<256x3xbf16>
    %convert_element_type3A_9 = arith.truncf %get3A_8 : vector<3x4096xf32> to vector<3x4096xbf16>
    %dot_general3A = arith.constant dense<0.000000e+00> : vector<256x4096xf32>
    %dot_general3A_10 = tpu.matmul %convert_element_type3A, %convert_element_type3A_9, %dot_general3A {dimension_numbers = #tpu.dot_dimension_numbers<[1], [0], [0], [1], [0, 0, 1, 1], [], []>, transpose_lhs_hint = false} : vector<256x3xbf16>, vector<3x4096xbf16>, vector<256x4096xf32> -> vector<256x4096xf32>
    %slice3A = vector.extract_strided_slice %get3A_3 {offsets = [0, 0], sizes = [256, 1], strides = [1, 1]} : vector<256x3xf32> to vector<256x1xf32>
    %slice3A_11 = vector.extract_strided_slice %get3A_3 {offsets = [0, 1], sizes = [256, 1], strides = [1, 1]} : vector<256x3xf32> to vector<256x1xf32>
    %slice3A_12 = vector.extract_strided_slice %get3A_3 {offsets = [0, 2], sizes = [256, 1], strides = [1, 1]} : vector<256x3xf32> to vector<256x1xf32>
    %mul3A = arith.mulf %slice3A, %slice3A : vector<256x1xf32>
    %mul3A_13 = arith.mulf %slice3A_11, %slice3A_11 : vector<256x1xf32>
    %add3A = arith.addf %mul3A, %mul3A_13 : vector<256x1xf32>
    %mul3A_14 = arith.mulf %slice3A_12, %slice3A_12 : vector<256x1xf32>
    %add3A_15 = arith.addf %add3A, %mul3A_14 : vector<256x1xf32>
    %slice3A_16 = vector.extract_strided_slice %get3A_8 {offsets = [0, 0], sizes = [1, 4096], strides = [1, 1]} : vector<3x4096xf32> to vector<1x4096xf32>
    %slice3A_17 = vector.extract_strided_slice %get3A_8 {offsets = [1, 0], sizes = [1, 4096], strides = [1, 1]} : vector<3x4096xf32> to vector<1x4096xf32>
    %slice3A_18 = vector.extract_strided_slice %get3A_8 {offsets = [2, 0], sizes = [1, 4096], strides = [1, 1]} : vector<3x4096xf32> to vector<1x4096xf32>
    %mul3A_19 = arith.mulf %slice3A_16, %slice3A_16 : vector<1x4096xf32>
    %mul3A_20 = arith.mulf %slice3A_17, %slice3A_17 : vector<1x4096xf32>
    %add3A_21 = arith.addf %mul3A_19, %mul3A_20 : vector<1x4096xf32>
    %mul3A_22 = arith.mulf %slice3A_18, %slice3A_18 : vector<1x4096xf32>
    %add3A_23 = arith.addf %add3A_21, %mul3A_22 : vector<1x4096xf32>
    %mul3A_24 = arith.constant -2.000000e+00 : f32
    %mul3A_25 = vector.broadcast %mul3A_24 : f32 to vector<256x4096xf32>
    %mul3A_26 = arith.mulf %mul3A_25, %dot_general3A_10 : vector<256x4096xf32>
    %add3A_27 = vector.broadcast %add3A_15 : vector<256x1xf32> to vector<256x4096xf32>
    %add3A_28 = arith.addf %mul3A_26, %add3A_27 : vector<256x4096xf32>
    %add3A_29 = vector.broadcast %add3A_23 : vector<1x4096xf32> to vector<256x4096xf32>
    %add3A_30 = arith.addf %add3A_28, %add3A_29 : vector<256x4096xf32>
    %iota3A = tpu.iota {dimensions = array<i32: 1>} : vector<256x4096xi32>
    %convert_element_type3A_31 = arith.sitofp %iota3A : vector<256x4096xi32> to vector<256x4096xf32>
    %reduce_min3A = arith.constant dense<0x7F800000> : vector<256xf32>
    %reduce_min3A_32 = vector.multi_reduction <minimumf>, %add3A_30, %reduce_min3A [1] : vector<256x4096xf32> to vector<256xf32>
    %broadcast_in_dim3A = vector.shape_cast %reduce_min3A_32 : vector<256xf32> to vector<256x1xf32>
    %eq3A = vector.broadcast %broadcast_in_dim3A : vector<256x1xf32> to vector<256x4096xf32>
    %eq3A_33 = arith.cmpf oeq, %add3A_30, %eq3A : vector<256x4096xf32>
    %jit3A = arith.constant 3.000000e+38 : f32
    %broadcast_in_dim3A_34 = vector.broadcast %jit3A : f32 to vector<256x4096xf32>
    %select_n3A = arith.select %eq3A_33, %convert_element_type3A_31, %broadcast_in_dim3A_34 : vector<256x4096xi1>, vector<256x4096xf32>
    %reduce_min3A_35 = arith.constant dense<0x7F800000> : vector<256xf32>
    %reduce_min3A_36 = vector.multi_reduction <minimumf>, %select_n3A, %reduce_min3A_35 [1] : vector<256x4096xf32> to vector<256xf32>
    %broadcast_in_dim3A_37 = vector.shape_cast %reduce_min3A_36 : vector<256xf32> to vector<256x1xf32>
    %eq3A_38 = vector.broadcast %broadcast_in_dim3A_37 : vector<256x1xf32> to vector<256x4096xf32>
    %eq3A_39 = arith.cmpf oeq, %convert_element_type3A_31, %eq3A_38 : vector<256x4096xf32>
    %jit3A_40 = arith.constant 3.000000e+38 : f32
    %broadcast_in_dim3A_41 = vector.broadcast %jit3A_40 : f32 to vector<256x4096xf32>
    %select_n3A_42 = arith.select %eq3A_39, %broadcast_in_dim3A_41, %add3A_30 : vector<256x4096xi1>, vector<256x4096xf32>
    %reduce_min3A_43 = arith.constant dense<0x7F800000> : vector<256xf32>
    %reduce_min3A_44 = vector.multi_reduction <minimumf>, %select_n3A_42, %reduce_min3A_43 [1] : vector<256x4096xf32> to vector<256xf32>
    %broadcast_in_dim3A_45 = vector.shape_cast %reduce_min3A_44 : vector<256xf32> to vector<256x1xf32>
    %eq3A_46 = vector.broadcast %broadcast_in_dim3A_45 : vector<256x1xf32> to vector<256x4096xf32>
    %eq3A_47 = arith.cmpf oeq, %select_n3A_42, %eq3A_46 : vector<256x4096xf32>
    %jit3A_48 = arith.constant 3.000000e+38 : f32
    %broadcast_in_dim3A_49 = vector.broadcast %jit3A_48 : f32 to vector<256x4096xf32>
    %select_n3A_50 = arith.select %eq3A_47, %convert_element_type3A_31, %broadcast_in_dim3A_49 : vector<256x4096xi1>, vector<256x4096xf32>
    %reduce_min3A_51 = arith.constant dense<0x7F800000> : vector<256xf32>
    %reduce_min3A_52 = vector.multi_reduction <minimumf>, %select_n3A_50, %reduce_min3A_51 [1] : vector<256x4096xf32> to vector<256xf32>
    %broadcast_in_dim3A_53 = vector.shape_cast %reduce_min3A_52 : vector<256xf32> to vector<256x1xf32>
    %eq3A_54 = vector.broadcast %broadcast_in_dim3A_53 : vector<256x1xf32> to vector<256x4096xf32>
    %eq3A_55 = arith.cmpf oeq, %convert_element_type3A_31, %eq3A_54 : vector<256x4096xf32>
    %jit3A_56 = arith.constant 3.000000e+38 : f32
    %broadcast_in_dim3A_57 = vector.broadcast %jit3A_56 : f32 to vector<256x4096xf32>
    %select_n3A_58 = arith.select %eq3A_55, %broadcast_in_dim3A_57, %select_n3A_42 : vector<256x4096xi1>, vector<256x4096xf32>
    %reduce_min3A_59 = arith.constant dense<0x7F800000> : vector<256xf32>
    %reduce_min3A_60 = vector.multi_reduction <minimumf>, %select_n3A_58, %reduce_min3A_59 [1] : vector<256x4096xf32> to vector<256xf32>
    %broadcast_in_dim3A_61 = vector.shape_cast %reduce_min3A_60 : vector<256xf32> to vector<256x1xf32>
    %eq3A_62 = vector.broadcast %broadcast_in_dim3A_61 : vector<256x1xf32> to vector<256x4096xf32>
    %eq3A_63 = arith.cmpf oeq, %select_n3A_58, %eq3A_62 : vector<256x4096xf32>
    %jit3A_64 = arith.constant 3.000000e+38 : f32
    %broadcast_in_dim3A_65 = vector.broadcast %jit3A_64 : f32 to vector<256x4096xf32>
    %select_n3A_66 = arith.select %eq3A_63, %convert_element_type3A_31, %broadcast_in_dim3A_65 : vector<256x4096xi1>, vector<256x4096xf32>
    %reduce_min3A_67 = arith.constant dense<0x7F800000> : vector<256xf32>
    %reduce_min3A_68 = vector.multi_reduction <minimumf>, %select_n3A_66, %reduce_min3A_67 [1] : vector<256x4096xf32> to vector<256xf32>
    %broadcast_in_dim3A_69 = vector.shape_cast %reduce_min3A_68 : vector<256xf32> to vector<256x1xf32>
    %eq3A_70 = vector.broadcast %broadcast_in_dim3A_69 : vector<256x1xf32> to vector<256x4096xf32>
    %eq3A_71 = arith.cmpf oeq, %convert_element_type3A_31, %eq3A_70 : vector<256x4096xf32>
    %jit3A_72 = arith.constant 3.000000e+38 : f32
    %broadcast_in_dim3A_73 = vector.broadcast %jit3A_72 : f32 to vector<256x4096xf32>
    %select_n3A_74 = arith.select %eq3A_71, %broadcast_in_dim3A_73, %select_n3A_58 : vector<256x4096xi1>, vector<256x4096xf32>
    %reduce_min3A_75 = arith.constant dense<0x7F800000> : vector<256xf32>
    %reduce_min3A_76 = vector.multi_reduction <minimumf>, %select_n3A_74, %reduce_min3A_75 [1] : vector<256x4096xf32> to vector<256xf32>
    %broadcast_in_dim3A_77 = vector.shape_cast %reduce_min3A_76 : vector<256xf32> to vector<256x1xf32>
    %eq3A_78 = vector.broadcast %broadcast_in_dim3A_77 : vector<256x1xf32> to vector<256x4096xf32>
    %eq3A_79 = arith.cmpf oeq, %select_n3A_74, %eq3A_78 : vector<256x4096xf32>
    %jit3A_80 = arith.constant 3.000000e+38 : f32
    %broadcast_in_dim3A_81 = vector.broadcast %jit3A_80 : f32 to vector<256x4096xf32>
    %select_n3A_82 = arith.select %eq3A_79, %convert_element_type3A_31, %broadcast_in_dim3A_81 : vector<256x4096xi1>, vector<256x4096xf32>
    %reduce_min3A_83 = arith.constant dense<0x7F800000> : vector<256xf32>
    %reduce_min3A_84 = vector.multi_reduction <minimumf>, %select_n3A_82, %reduce_min3A_83 [1] : vector<256x4096xf32> to vector<256xf32>
    %broadcast_in_dim3A_85 = vector.shape_cast %reduce_min3A_84 : vector<256xf32> to vector<256x1xf32>
    %eq3A_86 = vector.broadcast %broadcast_in_dim3A_85 : vector<256x1xf32> to vector<256x4096xf32>
    %eq3A_87 = arith.cmpf oeq, %convert_element_type3A_31, %eq3A_86 : vector<256x4096xf32>
    %jit3A_88 = arith.constant 3.000000e+38 : f32
    %broadcast_in_dim3A_89 = vector.broadcast %jit3A_88 : f32 to vector<256x4096xf32>
    %select_n3A_90 = arith.select %eq3A_87, %broadcast_in_dim3A_89, %select_n3A_74 : vector<256x4096xi1>, vector<256x4096xf32>
    %reduce_min3A_91 = arith.constant dense<0x7F800000> : vector<256xf32>
    %reduce_min3A_92 = vector.multi_reduction <minimumf>, %select_n3A_90, %reduce_min3A_91 [1] : vector<256x4096xf32> to vector<256xf32>
    %broadcast_in_dim3A_93 = vector.shape_cast %reduce_min3A_92 : vector<256xf32> to vector<256x1xf32>
    %eq3A_94 = vector.broadcast %broadcast_in_dim3A_93 : vector<256x1xf32> to vector<256x4096xf32>
    %eq3A_95 = arith.cmpf oeq, %select_n3A_90, %eq3A_94 : vector<256x4096xf32>
    %jit3A_96 = arith.constant 3.000000e+38 : f32
    %broadcast_in_dim3A_97 = vector.broadcast %jit3A_96 : f32 to vector<256x4096xf32>
    %select_n3A_98 = arith.select %eq3A_95, %convert_element_type3A_31, %broadcast_in_dim3A_97 : vector<256x4096xi1>, vector<256x4096xf32>
    %reduce_min3A_99 = arith.constant dense<0x7F800000> : vector<256xf32>
    %reduce_min3A_100 = vector.multi_reduction <minimumf>, %select_n3A_98, %reduce_min3A_99 [1] : vector<256x4096xf32> to vector<256xf32>
    %broadcast_in_dim3A_101 = vector.shape_cast %reduce_min3A_100 : vector<256xf32> to vector<256x1xf32>
    %eq3A_102 = vector.broadcast %broadcast_in_dim3A_101 : vector<256x1xf32> to vector<256x4096xf32>
    %eq3A_103 = arith.cmpf oeq, %convert_element_type3A_31, %eq3A_102 : vector<256x4096xf32>
    %jit3A_104 = arith.constant 3.000000e+38 : f32
    %broadcast_in_dim3A_105 = vector.broadcast %jit3A_104 : f32 to vector<256x4096xf32>
    %select_n3A_106 = arith.select %eq3A_103, %broadcast_in_dim3A_105, %select_n3A_90 : vector<256x4096xi1>, vector<256x4096xf32>
    %reduce_min3A_107 = arith.constant dense<0x7F800000> : vector<256xf32>
    %reduce_min3A_108 = vector.multi_reduction <minimumf>, %select_n3A_106, %reduce_min3A_107 [1] : vector<256x4096xf32> to vector<256xf32>
    %broadcast_in_dim3A_109 = vector.shape_cast %reduce_min3A_108 : vector<256xf32> to vector<256x1xf32>
    %eq3A_110 = vector.broadcast %broadcast_in_dim3A_109 : vector<256x1xf32> to vector<256x4096xf32>
    %eq3A_111 = arith.cmpf oeq, %select_n3A_106, %eq3A_110 : vector<256x4096xf32>
    %jit3A_112 = arith.constant 3.000000e+38 : f32
    %broadcast_in_dim3A_113 = vector.broadcast %jit3A_112 : f32 to vector<256x4096xf32>
    %select_n3A_114 = arith.select %eq3A_111, %convert_element_type3A_31, %broadcast_in_dim3A_113 : vector<256x4096xi1>, vector<256x4096xf32>
    %reduce_min3A_115 = arith.constant dense<0x7F800000> : vector<256xf32>
    %reduce_min3A_116 = vector.multi_reduction <minimumf>, %select_n3A_114, %reduce_min3A_115 [1] : vector<256x4096xf32> to vector<256xf32>
    %broadcast_in_dim3A_117 = vector.shape_cast %reduce_min3A_116 : vector<256xf32> to vector<256x1xf32>
    %eq3A_118 = vector.broadcast %broadcast_in_dim3A_117 : vector<256x1xf32> to vector<256x4096xf32>
    %eq3A_119 = arith.cmpf oeq, %convert_element_type3A_31, %eq3A_118 : vector<256x4096xf32>
    %jit3A_120 = arith.constant 3.000000e+38 : f32
    %broadcast_in_dim3A_121 = vector.broadcast %jit3A_120 : f32 to vector<256x4096xf32>
    %select_n3A_122 = arith.select %eq3A_119, %broadcast_in_dim3A_121, %select_n3A_106 : vector<256x4096xi1>, vector<256x4096xf32>
    %reduce_min3A_123 = arith.constant dense<0x7F800000> : vector<256xf32>
    %reduce_min3A_124 = vector.multi_reduction <minimumf>, %select_n3A_122, %reduce_min3A_123 [1] : vector<256x4096xf32> to vector<256xf32>
    %broadcast_in_dim3A_125 = vector.shape_cast %reduce_min3A_124 : vector<256xf32> to vector<256x1xf32>
    %eq3A_126 = vector.broadcast %broadcast_in_dim3A_125 : vector<256x1xf32> to vector<256x4096xf32>
    %eq3A_127 = arith.cmpf oeq, %select_n3A_122, %eq3A_126 : vector<256x4096xf32>
    %jit3A_128 = arith.constant 3.000000e+38 : f32
    %broadcast_in_dim3A_129 = vector.broadcast %jit3A_128 : f32 to vector<256x4096xf32>
    %select_n3A_130 = arith.select %eq3A_127, %convert_element_type3A_31, %broadcast_in_dim3A_129 : vector<256x4096xi1>, vector<256x4096xf32>
    %reduce_min3A_131 = arith.constant dense<0x7F800000> : vector<256xf32>
    %reduce_min3A_132 = vector.multi_reduction <minimumf>, %select_n3A_130, %reduce_min3A_131 [1] : vector<256x4096xf32> to vector<256xf32>
    %broadcast_in_dim3A_133 = vector.shape_cast %reduce_min3A_132 : vector<256xf32> to vector<256x1xf32>
    %eq3A_134 = vector.broadcast %broadcast_in_dim3A_133 : vector<256x1xf32> to vector<256x4096xf32>
    %eq3A_135 = arith.cmpf oeq, %convert_element_type3A_31, %eq3A_134 : vector<256x4096xf32>
    %jit3A_136 = arith.constant 3.000000e+38 : f32
    %broadcast_in_dim3A_137 = vector.broadcast %jit3A_136 : f32 to vector<256x4096xf32>
    %select_n3A_138 = arith.select %eq3A_135, %broadcast_in_dim3A_137, %select_n3A_122 : vector<256x4096xi1>, vector<256x4096xf32>
    %reduce_min3A_139 = arith.constant dense<0x7F800000> : vector<256xf32>
    %reduce_min3A_140 = vector.multi_reduction <minimumf>, %select_n3A_138, %reduce_min3A_139 [1] : vector<256x4096xf32> to vector<256xf32>
    %broadcast_in_dim3A_141 = vector.shape_cast %reduce_min3A_140 : vector<256xf32> to vector<256x1xf32>
    %eq3A_142 = vector.broadcast %broadcast_in_dim3A_141 : vector<256x1xf32> to vector<256x4096xf32>
    %eq3A_143 = arith.cmpf oeq, %select_n3A_138, %eq3A_142 : vector<256x4096xf32>
    %jit3A_144 = arith.constant 3.000000e+38 : f32
    %broadcast_in_dim3A_145 = vector.broadcast %jit3A_144 : f32 to vector<256x4096xf32>
    %select_n3A_146 = arith.select %eq3A_143, %convert_element_type3A_31, %broadcast_in_dim3A_145 : vector<256x4096xi1>, vector<256x4096xf32>
    %reduce_min3A_147 = arith.constant dense<0x7F800000> : vector<256xf32>
    %reduce_min3A_148 = vector.multi_reduction <minimumf>, %select_n3A_146, %reduce_min3A_147 [1] : vector<256x4096xf32> to vector<256xf32>
    %broadcast_in_dim3A_149 = vector.shape_cast %reduce_min3A_148 : vector<256xf32> to vector<256x1xf32>
    %eq3A_150 = vector.broadcast %broadcast_in_dim3A_149 : vector<256x1xf32> to vector<256x4096xf32>
    %eq3A_151 = arith.cmpf oeq, %convert_element_type3A_31, %eq3A_150 : vector<256x4096xf32>
    %jit3A_152 = arith.constant 3.000000e+38 : f32
    %broadcast_in_dim3A_153 = vector.broadcast %jit3A_152 : f32 to vector<256x4096xf32>
    %select_n3A_154 = arith.select %eq3A_151, %broadcast_in_dim3A_153, %select_n3A_138 : vector<256x4096xi1>, vector<256x4096xf32>
    %reduce_min3A_155 = arith.constant dense<0x7F800000> : vector<256xf32>
    %reduce_min3A_156 = vector.multi_reduction <minimumf>, %select_n3A_154, %reduce_min3A_155 [1] : vector<256x4096xf32> to vector<256xf32>
    %broadcast_in_dim3A_157 = vector.shape_cast %reduce_min3A_156 : vector<256xf32> to vector<256x1xf32>
    %eq3A_158 = vector.broadcast %broadcast_in_dim3A_157 : vector<256x1xf32> to vector<256x4096xf32>
    %eq3A_159 = arith.cmpf oeq, %select_n3A_154, %eq3A_158 : vector<256x4096xf32>
    %jit3A_160 = arith.constant 3.000000e+38 : f32
    %broadcast_in_dim3A_161 = vector.broadcast %jit3A_160 : f32 to vector<256x4096xf32>
    %select_n3A_162 = arith.select %eq3A_159, %convert_element_type3A_31, %broadcast_in_dim3A_161 : vector<256x4096xi1>, vector<256x4096xf32>
    %reduce_min3A_163 = arith.constant dense<0x7F800000> : vector<256xf32>
    %reduce_min3A_164 = vector.multi_reduction <minimumf>, %select_n3A_162, %reduce_min3A_163 [1] : vector<256x4096xf32> to vector<256xf32>
    %broadcast_in_dim3A_165 = vector.shape_cast %reduce_min3A_164 : vector<256xf32> to vector<256x1xf32>
    %eq3A_166 = vector.broadcast %broadcast_in_dim3A_165 : vector<256x1xf32> to vector<256x4096xf32>
    %eq3A_167 = arith.cmpf oeq, %convert_element_type3A_31, %eq3A_166 : vector<256x4096xf32>
    %jit3A_168 = arith.constant 3.000000e+38 : f32
    %broadcast_in_dim3A_169 = vector.broadcast %jit3A_168 : f32 to vector<256x4096xf32>
    %select_n3A_170 = arith.select %eq3A_167, %broadcast_in_dim3A_169, %select_n3A_154 : vector<256x4096xi1>, vector<256x4096xf32>
    %reduce_min3A_171 = arith.constant dense<0x7F800000> : vector<256xf32>
    %reduce_min3A_172 = vector.multi_reduction <minimumf>, %select_n3A_170, %reduce_min3A_171 [1] : vector<256x4096xf32> to vector<256xf32>
    %broadcast_in_dim3A_173 = vector.shape_cast %reduce_min3A_172 : vector<256xf32> to vector<256x1xf32>
    %eq3A_174 = vector.broadcast %broadcast_in_dim3A_173 : vector<256x1xf32> to vector<256x4096xf32>
    %eq3A_175 = arith.cmpf oeq, %select_n3A_170, %eq3A_174 : vector<256x4096xf32>
    %jit3A_176 = arith.constant 3.000000e+38 : f32
    %broadcast_in_dim3A_177 = vector.broadcast %jit3A_176 : f32 to vector<256x4096xf32>
    %select_n3A_178 = arith.select %eq3A_175, %convert_element_type3A_31, %broadcast_in_dim3A_177 : vector<256x4096xi1>, vector<256x4096xf32>
    %reduce_min3A_179 = arith.constant dense<0x7F800000> : vector<256xf32>
    %reduce_min3A_180 = vector.multi_reduction <minimumf>, %select_n3A_178, %reduce_min3A_179 [1] : vector<256x4096xf32> to vector<256xf32>
    %broadcast_in_dim3A_181 = vector.shape_cast %reduce_min3A_180 : vector<256xf32> to vector<256x1xf32>
    %eq3A_182 = vector.broadcast %broadcast_in_dim3A_181 : vector<256x1xf32> to vector<256x4096xf32>
    %eq3A_183 = arith.cmpf oeq, %convert_element_type3A_31, %eq3A_182 : vector<256x4096xf32>
    %jit3A_184 = arith.constant 3.000000e+38 : f32
    %broadcast_in_dim3A_185 = vector.broadcast %jit3A_184 : f32 to vector<256x4096xf32>
    %select_n3A_186 = arith.select %eq3A_183, %broadcast_in_dim3A_185, %select_n3A_170 : vector<256x4096xi1>, vector<256x4096xf32>
    %reduce_min3A_187 = arith.constant dense<0x7F800000> : vector<256xf32>
    %reduce_min3A_188 = vector.multi_reduction <minimumf>, %select_n3A_186, %reduce_min3A_187 [1] : vector<256x4096xf32> to vector<256xf32>
    %broadcast_in_dim3A_189 = vector.shape_cast %reduce_min3A_188 : vector<256xf32> to vector<256x1xf32>
    %eq3A_190 = vector.broadcast %broadcast_in_dim3A_189 : vector<256x1xf32> to vector<256x4096xf32>
    %eq3A_191 = arith.cmpf oeq, %select_n3A_186, %eq3A_190 : vector<256x4096xf32>
    %jit3A_192 = arith.constant 3.000000e+38 : f32
    %broadcast_in_dim3A_193 = vector.broadcast %jit3A_192 : f32 to vector<256x4096xf32>
    %select_n3A_194 = arith.select %eq3A_191, %convert_element_type3A_31, %broadcast_in_dim3A_193 : vector<256x4096xi1>, vector<256x4096xf32>
    %reduce_min3A_195 = arith.constant dense<0x7F800000> : vector<256xf32>
    %reduce_min3A_196 = vector.multi_reduction <minimumf>, %select_n3A_194, %reduce_min3A_195 [1] : vector<256x4096xf32> to vector<256xf32>
    %broadcast_in_dim3A_197 = vector.shape_cast %reduce_min3A_196 : vector<256xf32> to vector<256x1xf32>
    %eq3A_198 = vector.broadcast %broadcast_in_dim3A_197 : vector<256x1xf32> to vector<256x4096xf32>
    %eq3A_199 = arith.cmpf oeq, %convert_element_type3A_31, %eq3A_198 : vector<256x4096xf32>
    %jit3A_200 = arith.constant 3.000000e+38 : f32
    %broadcast_in_dim3A_201 = vector.broadcast %jit3A_200 : f32 to vector<256x4096xf32>
    %select_n3A_202 = arith.select %eq3A_199, %broadcast_in_dim3A_201, %select_n3A_186 : vector<256x4096xi1>, vector<256x4096xf32>
    %reduce_min3A_203 = arith.constant dense<0x7F800000> : vector<256xf32>
    %reduce_min3A_204 = vector.multi_reduction <minimumf>, %select_n3A_202, %reduce_min3A_203 [1] : vector<256x4096xf32> to vector<256xf32>
    %broadcast_in_dim3A_205 = vector.shape_cast %reduce_min3A_204 : vector<256xf32> to vector<256x1xf32>
    %eq3A_206 = vector.broadcast %broadcast_in_dim3A_205 : vector<256x1xf32> to vector<256x4096xf32>
    %eq3A_207 = arith.cmpf oeq, %select_n3A_202, %eq3A_206 : vector<256x4096xf32>
    %jit3A_208 = arith.constant 3.000000e+38 : f32
    %broadcast_in_dim3A_209 = vector.broadcast %jit3A_208 : f32 to vector<256x4096xf32>
    %select_n3A_210 = arith.select %eq3A_207, %convert_element_type3A_31, %broadcast_in_dim3A_209 : vector<256x4096xi1>, vector<256x4096xf32>
    %reduce_min3A_211 = arith.constant dense<0x7F800000> : vector<256xf32>
    %reduce_min3A_212 = vector.multi_reduction <minimumf>, %select_n3A_210, %reduce_min3A_211 [1] : vector<256x4096xf32> to vector<256xf32>
    %broadcast_in_dim3A_213 = vector.shape_cast %reduce_min3A_212 : vector<256xf32> to vector<256x1xf32>
    %eq3A_214 = vector.broadcast %broadcast_in_dim3A_213 : vector<256x1xf32> to vector<256x4096xf32>
    %eq3A_215 = arith.cmpf oeq, %convert_element_type3A_31, %eq3A_214 : vector<256x4096xf32>
    %jit3A_216 = arith.constant 3.000000e+38 : f32
    %broadcast_in_dim3A_217 = vector.broadcast %jit3A_216 : f32 to vector<256x4096xf32>
    %select_n3A_218 = arith.select %eq3A_215, %broadcast_in_dim3A_217, %select_n3A_202 : vector<256x4096xi1>, vector<256x4096xf32>
    %reduce_min3A_219 = arith.constant dense<0x7F800000> : vector<256xf32>
    %reduce_min3A_220 = vector.multi_reduction <minimumf>, %select_n3A_218, %reduce_min3A_219 [1] : vector<256x4096xf32> to vector<256xf32>
    %broadcast_in_dim3A_221 = vector.shape_cast %reduce_min3A_220 : vector<256xf32> to vector<256x1xf32>
    %eq3A_222 = vector.broadcast %broadcast_in_dim3A_221 : vector<256x1xf32> to vector<256x4096xf32>
    %eq3A_223 = arith.cmpf oeq, %select_n3A_218, %eq3A_222 : vector<256x4096xf32>
    %jit3A_224 = arith.constant 3.000000e+38 : f32
    %broadcast_in_dim3A_225 = vector.broadcast %jit3A_224 : f32 to vector<256x4096xf32>
    %select_n3A_226 = arith.select %eq3A_223, %convert_element_type3A_31, %broadcast_in_dim3A_225 : vector<256x4096xi1>, vector<256x4096xf32>
    %reduce_min3A_227 = arith.constant dense<0x7F800000> : vector<256xf32>
    %reduce_min3A_228 = vector.multi_reduction <minimumf>, %select_n3A_226, %reduce_min3A_227 [1] : vector<256x4096xf32> to vector<256xf32>
    %broadcast_in_dim3A_229 = vector.shape_cast %reduce_min3A_228 : vector<256xf32> to vector<256x1xf32>
    %eq3A_230 = vector.broadcast %broadcast_in_dim3A_229 : vector<256x1xf32> to vector<256x4096xf32>
    %eq3A_231 = arith.cmpf oeq, %convert_element_type3A_31, %eq3A_230 : vector<256x4096xf32>
    %jit3A_232 = arith.constant 3.000000e+38 : f32
    %broadcast_in_dim3A_233 = vector.broadcast %jit3A_232 : f32 to vector<256x4096xf32>
    %select_n3A_234 = arith.select %eq3A_231, %broadcast_in_dim3A_233, %select_n3A_218 : vector<256x4096xi1>, vector<256x4096xf32>
    %reduce_min3A_235 = arith.constant dense<0x7F800000> : vector<256xf32>
    %reduce_min3A_236 = vector.multi_reduction <minimumf>, %select_n3A_234, %reduce_min3A_235 [1] : vector<256x4096xf32> to vector<256xf32>
    %broadcast_in_dim3A_237 = vector.shape_cast %reduce_min3A_236 : vector<256xf32> to vector<256x1xf32>
    %eq3A_238 = vector.broadcast %broadcast_in_dim3A_237 : vector<256x1xf32> to vector<256x4096xf32>
    %eq3A_239 = arith.cmpf oeq, %select_n3A_234, %eq3A_238 : vector<256x4096xf32>
    %jit3A_240 = arith.constant 3.000000e+38 : f32
    %broadcast_in_dim3A_241 = vector.broadcast %jit3A_240 : f32 to vector<256x4096xf32>
    %select_n3A_242 = arith.select %eq3A_239, %convert_element_type3A_31, %broadcast_in_dim3A_241 : vector<256x4096xi1>, vector<256x4096xf32>
    %reduce_min3A_243 = arith.constant dense<0x7F800000> : vector<256xf32>
    %reduce_min3A_244 = vector.multi_reduction <minimumf>, %select_n3A_242, %reduce_min3A_243 [1] : vector<256x4096xf32> to vector<256xf32>
    %broadcast_in_dim3A_245 = vector.shape_cast %reduce_min3A_244 : vector<256xf32> to vector<256x1xf32>
    %eq3A_246 = vector.broadcast %broadcast_in_dim3A_245 : vector<256x1xf32> to vector<256x4096xf32>
    %eq3A_247 = arith.cmpf oeq, %convert_element_type3A_31, %eq3A_246 : vector<256x4096xf32>
    %jit3A_248 = arith.constant 3.000000e+38 : f32
    %broadcast_in_dim3A_249 = vector.broadcast %jit3A_248 : f32 to vector<256x4096xf32>
    %select_n3A_250 = arith.select %eq3A_247, %broadcast_in_dim3A_249, %select_n3A_234 : vector<256x4096xi1>, vector<256x4096xf32>
    %reduce_min3A_251 = arith.constant dense<0x7F800000> : vector<256xf32>
    %reduce_min3A_252 = vector.multi_reduction <minimumf>, %select_n3A_250, %reduce_min3A_251 [1] : vector<256x4096xf32> to vector<256xf32>
    %broadcast_in_dim3A_253 = vector.shape_cast %reduce_min3A_252 : vector<256xf32> to vector<256x1xf32>
    %eq3A_254 = vector.broadcast %broadcast_in_dim3A_253 : vector<256x1xf32> to vector<256x4096xf32>
    %eq3A_255 = arith.cmpf oeq, %select_n3A_250, %eq3A_254 : vector<256x4096xf32>
    %jit3A_256 = arith.constant 3.000000e+38 : f32
    %broadcast_in_dim3A_257 = vector.broadcast %jit3A_256 : f32 to vector<256x4096xf32>
    %select_n3A_258 = arith.select %eq3A_255, %convert_element_type3A_31, %broadcast_in_dim3A_257 : vector<256x4096xi1>, vector<256x4096xf32>
    %reduce_min3A_259 = arith.constant dense<0x7F800000> : vector<256xf32>
    %reduce_min3A_260 = vector.multi_reduction <minimumf>, %select_n3A_258, %reduce_min3A_259 [1] : vector<256x4096xf32> to vector<256xf32>
    %broadcast_in_dim3A_261 = vector.shape_cast %reduce_min3A_260 : vector<256xf32> to vector<256x1xf32>
    %eq3A_262 = vector.broadcast %broadcast_in_dim3A_261 : vector<256x1xf32> to vector<256x4096xf32>
    %eq3A_263 = arith.cmpf oeq, %convert_element_type3A_31, %eq3A_262 : vector<256x4096xf32>
    %jit3A_264 = arith.constant 3.000000e+38 : f32
    %broadcast_in_dim3A_265 = vector.broadcast %jit3A_264 : f32 to vector<256x4096xf32>
    %select_n3A_266 = arith.select %eq3A_263, %broadcast_in_dim3A_265, %select_n3A_250 : vector<256x4096xi1>, vector<256x4096xf32>
    %reduce_min3A_267 = arith.constant dense<0x7F800000> : vector<256xf32>
    %reduce_min3A_268 = vector.multi_reduction <minimumf>, %select_n3A_266, %reduce_min3A_267 [1] : vector<256x4096xf32> to vector<256xf32>
    %broadcast_in_dim3A_269 = vector.shape_cast %reduce_min3A_268 : vector<256xf32> to vector<256x1xf32>
    %eq3A_270 = vector.broadcast %broadcast_in_dim3A_269 : vector<256x1xf32> to vector<256x4096xf32>
    %eq3A_271 = arith.cmpf oeq, %select_n3A_266, %eq3A_270 : vector<256x4096xf32>
    %jit3A_272 = arith.constant 3.000000e+38 : f32
    %broadcast_in_dim3A_273 = vector.broadcast %jit3A_272 : f32 to vector<256x4096xf32>
    %select_n3A_274 = arith.select %eq3A_271, %convert_element_type3A_31, %broadcast_in_dim3A_273 : vector<256x4096xi1>, vector<256x4096xf32>
    %reduce_min3A_275 = arith.constant dense<0x7F800000> : vector<256xf32>
    %reduce_min3A_276 = vector.multi_reduction <minimumf>, %select_n3A_274, %reduce_min3A_275 [1] : vector<256x4096xf32> to vector<256xf32>
    %broadcast_in_dim3A_277 = vector.shape_cast %reduce_min3A_276 : vector<256xf32> to vector<256x1xf32>
    %concatenate3A = tpu.concatenate %broadcast_in_dim3A_37, %broadcast_in_dim3A_53, %broadcast_in_dim3A_69, %broadcast_in_dim3A_85, %broadcast_in_dim3A_101, %broadcast_in_dim3A_117, %broadcast_in_dim3A_133, %broadcast_in_dim3A_149, %broadcast_in_dim3A_165, %broadcast_in_dim3A_181, %broadcast_in_dim3A_197, %broadcast_in_dim3A_213, %broadcast_in_dim3A_229, %broadcast_in_dim3A_245, %broadcast_in_dim3A_261, %broadcast_in_dim3A_277 in 1 : vector<256x1xf32>, vector<256x1xf32>, vector<256x1xf32>, vector<256x1xf32>, vector<256x1xf32>, vector<256x1xf32>, vector<256x1xf32>, vector<256x1xf32>, vector<256x1xf32>, vector<256x1xf32>, vector<256x1xf32>, vector<256x1xf32>, vector<256x1xf32>, vector<256x1xf32>, vector<256x1xf32>, vector<256x1xf32> -> vector<256x16xf32>
    %convert_element_type3A_278 = arith.fptosi %concatenate3A : vector<256x16xf32> to vector<256x16xi32>
    %swap3A = arith.constant 0 : index
    %swap3A_279 = arith.constant 0 : index
    %swap3A_280 = arith.constant 0 : index
    %swap3A_281 = vector.load %arg4[%swap3A, %swap3A_279, %swap3A_280] : memref<1x256x16xi32, #tpu.memory_space<vmem>>, vector<1x256x16xi32>
    %swap3A_282 = vector.shape_cast %swap3A_281 : vector<1x256x16xi32> to vector<256x16xi32>
    %swap3A_283 = vector.shape_cast %convert_element_type3A_278 : vector<256x16xi32> to vector<1x256x16xi32>
    tpu.vector_store %arg4[%swap3A, %swap3A_279, %swap3A_280], %swap3A_283 {strides = array<i32>} : memref<1x256x16xi32, #tpu.memory_space<vmem>>, vector<1x256x16xi32>,
    return
  }
  func.func @transform_0(%arg0: i32, %arg1: i32) -> (i32, i32, i32) {
    %c0_i32 = arith.constant 0 : i32
    %c0_i32_0 = arith.constant 0 : i32
    return %arg0, %arg1, %c0_i32 : i32, i32, i32
  }
  func.func @transform_1(%arg0: i32, %arg1: i32) -> (i32, i32, i32) {
    %c0_i32 = arith.constant 0 : i32
    %c0_i32_0 = arith.constant 0 : i32
    %c0_i32_1 = arith.constant 0 : i32
    return %arg0, %c0_i32, %c0_i32_0 : i32, i32, i32
  }
  func.func @transform_2(%arg0: i32, %arg1: i32) -> (i32, i32, i32) {
    %c0_i32 = arith.constant 0 : i32
    %c0_i32_0 = arith.constant 0 : i32
    return %arg0, %arg1, %c0_i32 : i32, i32, i32
  }
}

module attributes {stable_mosaic.version = 14 : i64} {
  func.func @_mlp_body(%arg0: i32, %arg1: i32, %arg2: memref<1x6x8192xf32, #tpu.memory_space<vmem>>, %arg3: memref<32x6xf32, #tpu.memory_space<vmem>>, %arg4: memref<64x32xf32, #tpu.memory_space<vmem>>, %arg5: memref<128x64xf32, #tpu.memory_space<vmem>>, %arg6: memref<1x128x8192xf32, #tpu.memory_space<vmem>>, %arg7: memref<1x128x512xf32, #tpu.memory_space<vmem>>) attributes {dimension_semantics = [#tpu.dimension_semantics<arbitrary>, #tpu.dimension_semantics<arbitrary>], iteration_bounds = array<i64: 4, 8>, scalar_prefetch = 0 : i64, scratch_operands = 0 : i64, tpu.core_type = #tpu.core_type<tc>, window_params = [{transform_indices = @transform_0, window_bounds = array<i64: 1, 6, 8192>}, {pipeline_mode = #tpu.pipeline_mode<synchronous>, transform_indices = @transform_1, window_bounds = array<i64: 32, 6>}, {pipeline_mode = #tpu.pipeline_mode<synchronous>, transform_indices = @transform_2, window_bounds = array<i64: 64, 32>}, {pipeline_mode = #tpu.pipeline_mode<synchronous>, transform_indices = @transform_3, window_bounds = array<i64: 128, 64>}, {transform_indices = @transform_4, window_bounds = array<i64: 1, 128, 8192>}, {transform_indices = @transform_5, window_bounds = array<i64: 1, 128, 512>}]} {
    %get3A = arith.constant 0 : index
    %get3A_0 = arith.constant 0 : index
    %get3A_1 = arith.constant 0 : index
    %get3A_2 = vector.load %arg2[%get3A, %get3A_0, %get3A_1] : memref<1x6x8192xf32, #tpu.memory_space<vmem>>, vector<1x6x8192xf32>
    %get3A_3 = vector.shape_cast %get3A_2 : vector<1x6x8192xf32> to vector<6x8192xf32>
    %get3A_4 = arith.constant 0 : index
    %get3A_5 = arith.constant 0 : index
    %get3A_6 = vector.load %arg3[%get3A_4, %get3A_5] : memref<32x6xf32, #tpu.memory_space<vmem>>, vector<32x6xf32>
    %dot_general3A = arith.constant dense<0.000000e+00> : vector<32x8192xf32>
    %dot_general3A_7 = tpu.matmul %get3A_6, %get3A_3, %dot_general3A {dimension_numbers = #tpu.dot_dimension_numbers<[1], [0], [0], [1], [0, 0, 1, 1], [], []>, transpose_lhs_hint = false} : vector<32x6xf32>, vector<6x8192xf32>, vector<32x8192xf32> -> vector<32x8192xf32>
    %max3A = arith.constant 0.000000e+00 : f32
    %max3A_8 = vector.broadcast %max3A : f32 to vector<32x8192xf32>
    %max3A_9 = arith.maximumf %dot_general3A_7, %max3A_8 : vector<32x8192xf32>
    %get3A_10 = arith.constant 0 : index
    %get3A_11 = arith.constant 0 : index
    %get3A_12 = vector.load %arg4[%get3A_10, %get3A_11] : memref<64x32xf32, #tpu.memory_space<vmem>>, vector<64x32xf32>
    %dot_general3A_13 = arith.constant dense<0.000000e+00> : vector<64x8192xf32>
    %dot_general3A_14 = tpu.matmul %get3A_12, %max3A_9, %dot_general3A_13 {dimension_numbers = #tpu.dot_dimension_numbers<[1], [0], [0], [1], [0, 0, 1, 1], [], []>, transpose_lhs_hint = false} : vector<64x32xf32>, vector<32x8192xf32>, vector<64x8192xf32> -> vector<64x8192xf32>
    %max3A_15 = arith.constant 0.000000e+00 : f32
    %max3A_16 = vector.broadcast %max3A_15 : f32 to vector<64x8192xf32>
    %max3A_17 = arith.maximumf %dot_general3A_14, %max3A_16 : vector<64x8192xf32>
    %get3A_18 = arith.constant 0 : index
    %get3A_19 = arith.constant 0 : index
    %get3A_20 = vector.load %arg5[%get3A_18, %get3A_19] : memref<128x64xf32, #tpu.memory_space<vmem>>, vector<128x64xf32>
    %dot_general3A_21 = arith.constant dense<0.000000e+00> : vector<128x8192xf32>
    %dot_general3A_22 = tpu.matmul %get3A_20, %max3A_17, %dot_general3A_21 {dimension_numbers = #tpu.dot_dimension_numbers<[1], [0], [0], [1], [0, 0, 1, 1], [], []>, transpose_lhs_hint = false} : vector<128x64xf32>, vector<64x8192xf32>, vector<128x8192xf32> -> vector<128x8192xf32>
    %swap3A = arith.constant 0 : index
    %swap3A_23 = arith.constant 0 : index
    %swap3A_24 = arith.constant 0 : index
    %swap3A_25 = vector.load %arg6[%swap3A, %swap3A_23, %swap3A_24] : memref<1x128x8192xf32, #tpu.memory_space<vmem>>, vector<1x128x8192xf32>
    %swap3A_26 = vector.shape_cast %swap3A_25 : vector<1x128x8192xf32> to vector<128x8192xf32>
    %swap3A_27 = vector.shape_cast %dot_general3A_22 : vector<128x8192xf32> to vector<1x128x8192xf32>
    tpu.vector_store %arg6[%swap3A, %swap3A_23, %swap3A_24], %swap3A_27 {strides = array<i32>} : memref<1x128x8192xf32, #tpu.memory_space<vmem>>, vector<1x128x8192xf32>,
    %slice3A = vector.extract_strided_slice %dot_general3A_22 {offsets = [0, 1], sizes = [128, 8191], strides = [1, 1]} : vector<128x8192xf32> to vector<128x8191xf32>
    %slice3A_28 = vector.extract_strided_slice %dot_general3A_22 {offsets = [0, 0], sizes = [128, 1], strides = [1, 1]} : vector<128x8192xf32> to vector<128x1xf32>
    %concatenate3A = tpu.concatenate %slice3A, %slice3A_28 in 1 : vector<128x8191xf32>, vector<128x1xf32> -> vector<128x8192xf32>
    %max3A_29 = arith.maximumf %dot_general3A_22, %concatenate3A : vector<128x8192xf32>
    %slice3A_30 = vector.extract_strided_slice %max3A_29 {offsets = [0, 2], sizes = [128, 8190], strides = [1, 1]} : vector<128x8192xf32> to vector<128x8190xf32>
    %slice3A_31 = vector.extract_strided_slice %max3A_29 {offsets = [0, 0], sizes = [128, 2], strides = [1, 1]} : vector<128x8192xf32> to vector<128x2xf32>
    %concatenate3A_32 = tpu.concatenate %slice3A_30, %slice3A_31 in 1 : vector<128x8190xf32>, vector<128x2xf32> -> vector<128x8192xf32>
    %max3A_33 = arith.maximumf %max3A_29, %concatenate3A_32 : vector<128x8192xf32>
    %slice3A_34 = vector.extract_strided_slice %max3A_33 {offsets = [0, 4], sizes = [128, 8188], strides = [1, 1]} : vector<128x8192xf32> to vector<128x8188xf32>
    %slice3A_35 = vector.extract_strided_slice %max3A_33 {offsets = [0, 0], sizes = [128, 4], strides = [1, 1]} : vector<128x8192xf32> to vector<128x4xf32>
    %concatenate3A_36 = tpu.concatenate %slice3A_34, %slice3A_35 in 1 : vector<128x8188xf32>, vector<128x4xf32> -> vector<128x8192xf32>
    %max3A_37 = arith.maximumf %max3A_33, %concatenate3A_36 : vector<128x8192xf32>
    %slice3A_38 = vector.extract_strided_slice %max3A_37 {offsets = [0, 8], sizes = [128, 8184], strides = [1, 1]} : vector<128x8192xf32> to vector<128x8184xf32>
    %slice3A_39 = vector.extract_strided_slice %max3A_37 {offsets = [0, 0], sizes = [128, 8], strides = [1, 1]} : vector<128x8192xf32> to vector<128x8xf32>
    %concatenate3A_40 = tpu.concatenate %slice3A_38, %slice3A_39 in 1 : vector<128x8184xf32>, vector<128x8xf32> -> vector<128x8192xf32>
    %max3A_41 = arith.maximumf %max3A_37, %concatenate3A_40 : vector<128x8192xf32>
    %iota3A = tpu.iota {dimensions = array<i32: 0>} : vector<8192x512xi32>
    %iota3A_42 = tpu.iota {dimensions = array<i32: 1>} : vector<8192x512xi32>
    %mul3A = arith.constant 16 : i32
    %mul3A_43 = vector.broadcast %mul3A : i32 to vector<8192x512xi32>
    %mul3A_44 = arith.muli %iota3A_42, %mul3A_43 : vector<8192x512xi32>
    %eq3A = arith.cmpi eq, %iota3A, %mul3A_44 : vector<8192x512xi32>
    %convert_element_type3A = arith.extui %eq3A : vector<8192x512xi1> to vector<8192x512xi32>
    %convert_element_type3A_45 = arith.sitofp %convert_element_type3A : vector<8192x512xi32> to vector<8192x512xf32>
    %convert_element_type3A_46 = arith.truncf %convert_element_type3A_45 : vector<8192x512xf32> to vector<8192x512xbf16>
    %convert_element_type3A_47 = arith.truncf %max3A_41 : vector<128x8192xf32> to vector<128x8192xbf16>
    %convert_element_type3A_48 = arith.extf %convert_element_type3A_47 : vector<128x8192xbf16> to vector<128x8192xf32>
    %sub3A = arith.subf %max3A_41, %convert_element_type3A_48 : vector<128x8192xf32>
    %convert_element_type3A_49 = arith.truncf %sub3A : vector<128x8192xf32> to vector<128x8192xbf16>
    %dot_general3A_50 = arith.constant dense<0.000000e+00> : vector<128x512xf32>
    %dot_general3A_51 = tpu.matmul %convert_element_type3A_47, %convert_element_type3A_46, %dot_general3A_50 {dimension_numbers = #tpu.dot_dimension_numbers<[1], [0], [0], [1], [0, 0, 1, 1], [], []>, transpose_lhs_hint = false} : vector<128x8192xbf16>, vector<8192x512xbf16>, vector<128x512xf32> -> vector<128x512xf32>
    %dot_general3A_52 = arith.constant dense<0.000000e+00> : vector<128x512xf32>
    %dot_general3A_53 = tpu.matmul %convert_element_type3A_49, %convert_element_type3A_46, %dot_general3A_52 {dimension_numbers = #tpu.dot_dimension_numbers<[1], [0], [0], [1], [0, 0, 1, 1], [], []>, transpose_lhs_hint = false} : vector<128x8192xbf16>, vector<8192x512xbf16>, vector<128x512xf32> -> vector<128x512xf32>
    %add3A = arith.addf %dot_general3A_51, %dot_general3A_53 : vector<128x512xf32>
    %swap3A_54 = arith.constant 0 : index
    %swap3A_55 = arith.constant 0 : index
    %swap3A_56 = arith.constant 0 : index
    %swap3A_57 = vector.load %arg7[%swap3A_54, %swap3A_55, %swap3A_56] : memref<1x128x512xf32, #tpu.memory_space<vmem>>, vector<1x128x512xf32>
    %swap3A_58 = vector.shape_cast %swap3A_57 : vector<1x128x512xf32> to vector<128x512xf32>
    %swap3A_59 = vector.shape_cast %add3A : vector<128x512xf32> to vector<1x128x512xf32>
    tpu.vector_store %arg7[%swap3A_54, %swap3A_55, %swap3A_56], %swap3A_59 {strides = array<i32>} : memref<1x128x512xf32, #tpu.memory_space<vmem>>, vector<1x128x512xf32>,
    return
  }
  func.func @transform_0(%arg0: i32, %arg1: i32) -> (i32, i32, i32) {
    %c0_i32 = arith.constant 0 : i32
    %c0_i32_0 = arith.constant 0 : i32
    return %arg0, %c0_i32, %arg1 : i32, i32, i32
  }
  func.func @transform_1(%arg0: i32, %arg1: i32) -> (i32, i32) {
    %c0_i32 = arith.constant 0 : i32
    %c0_i32_0 = arith.constant 0 : i32
    %c0_i32_1 = arith.constant 0 : i32
    return %c0_i32, %c0_i32_0 : i32, i32
  }
  func.func @transform_2(%arg0: i32, %arg1: i32) -> (i32, i32) {
    %c0_i32 = arith.constant 0 : i32
    %c0_i32_0 = arith.constant 0 : i32
    %c0_i32_1 = arith.constant 0 : i32
    return %c0_i32, %c0_i32_0 : i32, i32
  }
  func.func @transform_3(%arg0: i32, %arg1: i32) -> (i32, i32) {
    %c0_i32 = arith.constant 0 : i32
    %c0_i32_0 = arith.constant 0 : i32
    %c0_i32_1 = arith.constant 0 : i32
    return %c0_i32, %c0_i32_0 : i32, i32
  }
  func.func @transform_4(%arg0: i32, %arg1: i32) -> (i32, i32, i32) {
    %c0_i32 = arith.constant 0 : i32
    %c0_i32_0 = arith.constant 0 : i32
    return %arg0, %c0_i32, %arg1 : i32, i32, i32
  }
  func.func @transform_5(%arg0: i32, %arg1: i32) -> (i32, i32, i32) {
    %c0_i32 = arith.constant 0 : i32
    %c0_i32_0 = arith.constant 0 : i32
    return %arg0, %c0_i32, %arg1 : i32, i32, i32
  }
}

</mosaic_0001>

<sc_bundles>
// kernel: kernel.5.cloned.1.call-start
scs
__scs_entry_jumppad:
0x0: {  	(pc) =	sbr.rel $0x88, $3  }
0x1: {  	(tag) =	ssettag $0x0;
	lr =	simm.s32 $0x1  }
0x2: {  	[smem:$0x3F99] =	sst lr;
	_ =	strace $0xD0000000  }
0x3: {  	_ = 	snop  }
0x4: {  	_ = 	snop  }
0x5: {  	_ = 	snop  }
0x6: {  	_ = 	snop  }
0x7: {  	_ = 	snop  }
__scs_overlays_trampoline_lowered:
0x8: {  	[smem:$0x3FA8] =	sst s0  }
0x9: {  	[smem:$0x3FA9] =	sst s1  }
0xa: {  	[smem:$0x3FAA] =	sst s2  }
0xb: {  	[smem:$0x3FAB] =	sst s3  }
0xc: {  	[smem:$0x3FAC] =	sst s4  }
0xd: {  	[smem:$0x3FAD] =	sst s5  }
0xe: {  	[smem:$0x3FAE] =	sst s6  }
0xf: {  	[smem:$0x3FAF] =	sst s7  }
0x10: {  	[smem:$0x3FB0] =	sst s8  }
0x11: {  	[smem:$0x3FB1] =	sst s9;
	s0 =	simm.s32 @!p0 $0x0  }
0x12: {  	s1 =	sld [smem:$0x3F97];
	s0 =	simm.s32 @p0 $0x1  }
0x13: {  	[smem:$0x3FB2] =	sst s0;
	s0 =	simm.s32 @!p1 $0x0  }
0x14: {  	s2 =	sld [smem:$0x3F96];
	s0 =	simm.s32 @p1 $0x1  }
0x15: {  	[smem:$0x3FB3] =	sst s0;
	s0 =	simm.s32 @!p2 $0x0  }
0x16: {  	s3 =	sld [smem:$0x3FDB];
	s0 =	simm.s32 @p2 $0x1  }
0x17: {  	s4 =	simm.s32 $0x1BF5;
	[smem:$0x3FB5] =	sst s0  }
0x18: {  	s0 =	sld [smem:$0x3F98];
	_ =	swait.ge [sflag:s4], $0x0  }
0x19: {  	s7 =	sld [smem:$0x3F99]  }
0x1a: {  	s8 =	sadd.s32 $0xFFFFE003, lr  }
0x1b: {  	s9 =	sadd.s32 $0xFFFFFEF7, lr;
	s5 =	simm.s32 $0xFFFFFFFF;
	p2 =	slt.u32 s8, $0xFFFFF086  }
0x1c: {  	p1 =	slt.u32 s9, $0xF7A;
	s5 =	simm.s32 @!p2 $0x0  }
0x1d: {  	s5 =	simm.s32 @p1 $0x1;
	p0 =	seq.s32 s7, s2  }
0x1e: {  	s7 =	smul.u32 @!p0 $0xF7A, s2;
	p2 =	seq.s32 @!p0 s5, $0x0  }
0x1f: {  	s9 =	smul.u32 $0xF7A, s1;
	s8 =	simm.s32 @!p0 $0x1BF5;
	p2 =	por !p2, p0  }
0x20: {  	[sflag:s8] =	ssyncset.s32 @!p0 $0xFFFFF086;
	s6 =	sadd.s32 @!p0 s3, s7;
	s7 =	simm.s32 @!p0 $0x108  }
0x21: {  	s3 =	sadd.s32 s3, s9;
	s6 =	sadd.s32 @!p0 $0x88, s6;
	s7 =	simm.s32 @p2 $0x1082  }
0x22: {  	[simem:s7], [sflag:s8] =	dma.local @!p0 [hbm:s6], $0xF7A  }
0x23: {  	s9 =	sor.u32 $0xD0000000, s2;
	s6 =	simm.s32 $0x108;
	_ =	swait.ge @!p0 [sflag:s8], $0x0  }
0x24: {  	s3 =	sadd.s32 $0x88, s3;
	s6 =	simm.s32 @!p1 $0x1082;
	[sflag:s4] =	ssyncset.s32 $0xFFFFF086  }
0x25: {  	[simem:s6], [sflag:s4] =	dma.local [hbm:s3], $0xF7A  }
0x26: {  	[smem:$0x3F99] =	sst s1;
	(tag) =	ssettag s2;
	_ =	strace s9  }
0x27: {  	s1 =	sld [smem:$0x3FA9]  }
0x28: {  	s2 =	sld [smem:$0x3FAA]  }
0x29: {  	s4 =	sld [smem:$0x3FAC]  }
0x2a: {  	p0 =	seq.s32 s5, $0x0;
	s5 =	sld [smem:$0x3FAD]  }
0x2b: {  	s6 =	sld [smem:$0x3FAE]  }
0x2c: {  	s7 =	sld [smem:$0x3FAF]  }
0x2d: {  	s3 =	simm.s32 $0x108;
	s8 =	sld [smem:$0x3FB0]  }
0x2e: {  	s3 =	simm.s32 @!p0 $0x1082;
	s9 =	sld [smem:$0x3FB1]  }
0x2f: {  	lr =	sadd.s32 s0, s3;
	s0 =	sld [smem:$0x3FA8]  }
0x30: {  	s3 =	sld [smem:$0x3FAB]  }
0x31: {  	[smem:$0x3FB4] =	sst s10  }
0x32: {  	s10 =	sld [smem:$0x3FB2];
	_ =	sdelay $0x3  }
0x33: {  	p0 =	seq.s32 s10, $0x1;
	s10 =	sld [smem:$0x3FB4];
	_ =	sdelay $0x3  }
0x34: {  	[smem:$0x3FB4] =	sst s10  }
0x35: {  	s10 =	sld [smem:$0x3FB3];
	_ =	sdelay $0x3  }
0x36: {  	p1 =	seq.s32 s10, $0x1;
	s10 =	sld [smem:$0x3FB4];
	_ =	sdelay $0x3  }
0x37: {  	[smem:$0x3FB4] =	sst s10  }
0x38: {  	s10 =	sld [smem:$0x3FB5]  }
0x39: {  	_ = 	snop;
	(pc) =	sbr.ind lr, $3  }
0x3a: {  	_ = 	snop  }
0x3b: {  	_ = 	snop  }
0x3c: {  	p2 =	seq.s32 s10, $0x1;
	s10 =	sld [smem:$0x3FB4]  }
0x3d: {  	_ =	shalt  }
0x3e: {  	_ =	shalt  }
0x3f: {  	_ =	shalt  }
0x40: {  	_ =	shalt  }
0x41: {  	_ =	shalt  }
0x42: {  	_ =	shalt  }
0x43: {  	_ =	shalt  }
0x44: {  	_ =	shalt  }
0x45: {  	_ =	shalt  }
0x46: {  	_ =	shalt  }
0x47: {  	_ =	shalt  }
0x48: {  	_ =	shalt  }
0x49: {  	_ =	shalt  }
0x4a: {  	_ =	shalt  }
0x4b: {  	_ =	shalt  }
0x4c: {  	_ =	shalt  }
0x4d: {  	_ =	shalt  }
0x4e: {  	_ =	shalt  }
0x4f: {  	_ =	shalt  }
0x50: {  	_ =	shalt  }
0x51: {  	_ =	shalt  }
0x52: {  	_ =	shalt  }
0x53: {  	_ =	shalt  }
0x54: {  	_ =	shalt  }
0x55: {  	_ =	shalt  }
0x56: {  	_ =	shalt  }
0x57: {  	_ =	shalt  }
0x58: {  	_ =	shalt  }
0x59: {  	_ =	shalt  }
0x5a: {  	_ =	shalt  }
0x5b: {  	_ =	shalt  }
0x5c: {  	_ =	shalt  }
0x5d: {  	_ =	shalt  }
0x5e: {  	_ =	shalt  }
0x5f: {  	_ =	shalt  }
0x60: {  	_ =	shalt  }
0x61: {  	_ =	shalt  }
0x62: {  	_ =	shalt  }
0x63: {  	_ =	shalt  }
0x64: {  	_ =	shalt  }
0x65: {  	_ =	shalt  }
0x66: {  	_ =	shalt  }
0x67: {  	_ =	shalt  }
0x68: {  	_ =	shalt  }
0x69: {  	_ =	shalt  }
0x6a: {  	_ =	shalt  }
0x6b: {  	_ =	shalt  }
0x6c: {  	_ =	shalt  }
0x6d: {  	_ =	shalt  }
0x6e: {  	_ =	shalt  }
0x6f: {  	_ =	shalt  }
0x70: {  	_ =	shalt  }
0x71: {  	_ =	shalt  }
0x72: {  	_ =	shalt  }
0x73: {  	_ =	shalt  }
0x74: {  	_ =	shalt  }
0x75: {  	_ =	shalt  }
0x76: {  	_ =	shalt  }
0x77: {  	_ =	shalt  }
0x78: {  	_ =	shalt  }
0x79: {  	_ =	shalt  }
0x7a: {  	_ =	shalt  }
0x7b: {  	_ =	shalt  }
0x7c: {  	_ =	shalt  }
0x7d: {  	_ =	shalt  }
0x7e: {  	_ =	shalt  }
0x7f: {  	_ =	shalt  }
0x80: {  	_ =	shalt  }
0x81: {  	_ =	shalt  }
0x82: {  	_ =	shalt  }
0x83: {  	_ =	shalt  }
0x84: {  	_ =	shalt  }
0x85: {  	_ =	shalt  }
0x86: {  	_ =	shalt  }
0x87: {  	_ =	shalt  }
.Lfunc_end0:
.L_simem_size_0:
called_computation.1_lowered:
.L_overlay_start_0:
0x88: {  	s2 =	sld [smem:$0x3FD9]  }
0x89: {  	s3 =	sld [smem:$0x3FFE];
	_ =	sdelay $0x1  }
0x8a: {  	s1 =	srdreg.scid  }
0x8b: {  	s0 =	sand.u32 $0x1, s1  }
0x8c: {  	s14 =	sshll.u32 s0, $0xA;
	s2 =	sadd.s32 s3, s2  }
0x8d: {  	s2 =	sadd.s32 s2, s14  }
0x8e: {  	[smem:$0x3FC0] =	sst s2  }
0x8f: {  	_ = 	snop  }
0x90: {  	s2 =	sld [smem:$0x3FD0];
	_ =	sdelay $0x2  }
0x91: {  	s15 =	simm.s32 $0xA;
	s4 =	simm.s32 $0x10  }
0x92: {  	[smem:s4], [sflag:s15] =	dma.local [hbm:s2], $0x1  }
0x93: {  	_ =	swait.eq [sflag:s15], $0x1  }
0x94: {  	[sflag:s15] =	ssyncset.done $0x0  }
0x95: {  	s16 =	sld [smem:$0x10];
	[sflag:s15] =	ssyncadd.s32 $0xFFFFFFFF  }
0x96: {  	s17 =	sld [smem:$0x11];
	(tm) =	ssettm $0x1  }
0x97: {  	s18 =	sld [smem:$0x3FFB];
	_ =	sdelay $0x3  }
0x98: {  	_ =	strace s18  }
0x99: {  	s4 =	sld [smem:$0x3FFC];
	_ =	sdelay $0x3  }
0x9a: {  	_ =	strace s4  }
0x9b: {  	s4 =	sld [smem:$0x3FFD];
	_ =	sdelay $0x3  }
0x9c: {  	_ =	strace s4  }
0x9d: {  	_ =	strace $0x8FFFFFFF  }
0x9e: {  	s19 =	sld [smem:$0x3FDB];
	_ =	sdelay $0x1  }
0x9f: {  	s5 =	simm.s32 $_scs_section_size  }
0xa0: {  	s6 =	simm.s32 $_size__tile_overlayer_lowered;
	s7 =	simm.s32 $_tile_overlayer_lowered  }
0xa1: {  	s22 =	simm.s32 $0x1BFF;
	s21 =	sshll.u32 s7, $0x1;
	s4 =	sadd.s32 s5, s19  }
0xa2: {  	s8 =	simm.s32 $0x0;
	s20 =	sshll.u32 s6, $0x1;
	s6 =	sadd.s32 s21, s4  }
0xa3: {  	[timem:s8], [sflag:s22] =	dma.local [hbm:s6], s20  }
0xa4: {  	_ =	swait.ge [sflag:s22], s20  }
0xa5: {  	s5 =	ssub.s32 $0x0, s20;
	[sflag:s22] =	ssyncset.done $0x0  }
0xa6: {  	[sflag:s22] =	ssyncadd.s32 s5;
	_ =	sdelay $0x1  }
0xa7: {  	s23 =	simm.s32 $0x1B8B  }
0xa8: {  	_ =	swait.ge [sflag:s23], $0x1  }
0xa9: {  	[sflag:s23] =	ssyncset.done $0x0  }
0xaa: {  	s25 =	simm.s32 $0x1B8E;
	s24 =	sld [smem:$0x3FFE];
	[sflag:s23] =	ssyncadd.s32 $0xFFFFFFFF  }
0xab: {  	s26 =	simm.s32 $execute0_lowered;
	[smem:$0x3FD2] =	sst s25  }
0xac: {  	s6 =	sshll.u32 s26, $0x1;
	_ =	strace $0x80000046;
	[dreg:$0x1] =	wrdreg $0xFFFFFFFF  }
0xad: {  	s28 =	simm.s32 $_size_execute0_lowered;
	s4 =	sadd.s32 s4, s6;
	[dreg:$0x0] =	wrdreg $0x0  }
0xae: {  	s6 =	sshll.u32 s28, $0x1;
	[dreg:$0x2] =	wrdreg s4  }
0xaf: {  	[dreg:$0x3] =	wrdreg s6  }
0xb0: {  	[dreg:$0x4] =	wrdreg $0xC0  }
0xb1: {  	_ =	task [dreg:s8], $0x5FFFF  }
0xb2: {  	[dreg:$0x1] =	wrdreg $0xFFFFFFFF  }
0xb3: {  	[dreg:$0x0] =	wrdreg $0x60  }
0xb4: {  	[dreg:$0x2] =	wrdreg s24  }
0xb5: {  	[dreg:$0x3] =	wrdreg s17  }
0xb6: {  	[dreg:$0x4] =	wrdreg s16  }
0xb7: {  	[dreg:$0x5] =	wrdreg $0x9  }
0xb8: {  	_ =	task.clear_ibuf [dreg:s8], $0x6FFFF;
	_ =	strace $0x90000046  }
0xb9: {  	s29 =	simm.s32 $0x9;
	_ =	strace $0x80000048  }
0xba: {  	_ =	swait.ge [sflag:s29], $0x1  }
0xbb: {  	[sflag:s29] =	ssyncadd.s32 $0xFFFFFFFF  }
0xbc: {  	_ =	strace $0x90000048  }
0xbd: {  	_ =	sfence  }
0xbe: {  	s30 =	sld [smem:$0x0];
	_ =	sdelay $0x2  }
0xbf: {  	s31 =	sshll.u32 s1, $0xD;
	s1 =	sshrl.u32 s1, $0x2  }
0xc0: {  	s3 =	sand.u32 $0x4000, s31;
	s1 =	sadd.s32 s1, s30  }
0xc1: {  	s0 =	sor.u32 s3, s0;
	s1 =	sshll.u32 s1, $0x11  }
0xc2: {  	s0 =	sor.u32 s1, s0  }
0xc3: {  	s0 =	sadd.s32 $0x8F2B, s0  }
0xc4: {  	[sflag:s0] =	ssyncadd.remote.s32 $0x1  }
0xc5: {  	_ =	sfence.sel $0xFFFF  }
0xc6: {  	[dreg:$0x0] =	wrdreg $0xFFFFFFFF;
	(pc) =	sbr.abs _section_cstart, $3  }
0xc7: {  	[dreg:$0x1] =	wrdreg $0xFFFFFFFF  }
0xc8: {  	_ =	task.clear_ibuf [dreg:s8], $0x2FFFF;
	_ =	strace $0x9FFFFFFF  }
0xc9: {  	(tm) =	ssettm $0x7FFFFFFF  }
tec
execute0_lowered:
.L_overlay_start_1:
0x0: {  	(tag) =	ssettag $0x1  }
0x1: {  	s0 =	rddreg [dreg:$0x0]  }
0x2: {  	s1 =	rddreg [dreg:$0x1]  }
0x3: {  	s4 =	rddreg [dreg:$0x2];
	s13 =	stileid.u32  }
0x4: {  	s2 =	simm.s32 $0x0;
	s9 =	srdreg.scid;
	s28 =	simm.s32 $0x3300  }
0x5: {  	s29 =	simm.s32 $0x4300;
	s30 =	simm.s32 $0x4600;
	s31 =	simm.s32 $0x14600  }
0x6: {  	s5 =	sshrl.u32 s13, $0x2;
	[smem:$0x7FF] =	sst s2;
	s7 =	sadd.s32 $0x2600, s0  }
0x7: {  	s9 =	sand.u32 $0x1, s9;
	s13 =	sshll.u32 s13, $0xA;
	s6 =	smul.u32 $0x3000, s5  }
0x8: {  	s17 =	sadd.s32 $0x2000, s4;
	_ =	strace $0x80000047;
	s8 =	smul.u32 $0x60, s5  }
0x9: {  	s18 =	sshll.u32 s5, $0x9;
	s19 =	ssub.s32 $0x2, s9;
	s20 =	sshll.u32 s9, $0x9  }
0xa: {  	s21 =	sand.u32 $0xC00, s13;
	s9 =	sshll.u32 s5, $0x10;
	s26 =	sshll.u32 s5, $0xD  }
0xb: {  	s5 =	smul.u32 $0x60000, s5;
	s11 =	sadd.s32 s18, s0;
	s12 =	sshrl.u32 s19, $0x1  }
0xc: {  	s1 =	sadd.s32 s1, s26;
	s3 =	sshrl.u32 s6, $0x3;
	s8 =	sadd.s32 s8, s0  }
0xd: {  	s12 =	ssub.s32 s19, s12;
	s23 =	sadd.s32 $0x1C00, s11;
	[dreg:$0x7] =	wrdreg s1  }
0xe: {  	s11 =	simm.s32 $0x0;
	s10 =	sadd.s32 s3, s0;
	s0 =	sadd.s32 $0x3E00, s0  }
0xf: {  	s3 =	sor.u32 s20, s21;
	[dreg:$0x5] =	wrdreg s23;
	s8 =	sadd.s32 $0x2400, s8  }
0x10: {  	s22 =	sadd.s32 $0xBE00, s10;
	s24 =	sshll.u32 s3, $0x4;
	s25 =	smul.u32 $0x3, s3  }
0x11: {  	[dreg:$0x6] =	wrdreg s8;
	s14 =	sor.u32 s9, s24;
	s16 =	sor.u32 s5, s24  }
0x12: {  	[dreg:$0x4] =	wrdreg s22;
	s14 =	sshrl.u32 s14, $0x3;
	s8 =	sshrl.u32 s16, $0x3  }
0x13: {  	s15 =	sadd.s32 s6, s25;
	s1 =	sadd.s32 s0, s14;
	s10 =	sadd.s32 s4, s8  }
0x14: {  	s18 =	sadd.s32 s8, s17;
	s14 =	sor.u32 $0x100, s3;
	[dreg:$0x8] =	wrdreg s1  }
0x15: {  	s8 =	simm.s32 $0x19700;
	[dreg:$0xa] =	wrdreg s18;
	s19 =	sadd.s32 $0x4000, s10  }
0x16: {  	s1 =	sshrl.u32 s15, $0x3;
	s20 =	sadd.s32 $0x6000, s10;
	[dreg:$0xb] =	wrdreg s19  }
0x17: {  	s21 =	sadd.s32 $0x8000, s10;
	s22 =	sshll.u32 s14, $0x4;
	[dreg:$0xc] =	wrdreg s20  }
0x18: {  	s23 =	smul.u32 $0x3, s14;
	s24 =	sadd.s32 $0xA000, s10;
	[dreg:$0xd] =	wrdreg s21  }
0x19: {  	s1 =	sadd.s32 s7, s1;
	s9 =	sor.u32 s9, s22;
	[dreg:$0xe] =	wrdreg s24  }
0x1a: {  	[dreg:$0x9] =	wrdreg s1;
	s1 =	sor.u32 s5, s22;
	s25 =	sshrl.u32 s9, $0x3  }
0x1b: {  	s6 =	sadd.s32 s6, s23;
	s5 =	simm.s32 $0x16700;
	s9 =	simm.s32 $0x1A700  }
0x1c: {  	s1 =	sshrl.u32 s1, $0x3;
	s0 =	sadd.s32 s0, s25;
	s26 =	sshrl.u32 s6, $0x3  }
0x1d: {  	s25 =	smax.u32 s12, $0x1;
	s6 =	simm.s32 $0x17700;
	[dreg:$0xf] =	wrdreg s0  }
0x1e: {  	s18 =	sadd.s32 s4, s1;
	s19 =	sadd.s32 s7, s26;
	s20 =	sadd.s32 s1, s17  }
0x1f: {  	v0 =	vlaneseq.u32;
	s26 =	simm.s32 $0x1;
	s0 =	simm.s32 $0x3000;
	s1 =	simm.s32 $0x15600  }
0x20: {  	v2 =	vand.u32 $0x7, v0;
	s4 =	simm.s32 $0x15700;
	s7 =	simm.s32 $0x18700;
	s21 =	sadd.s32 $0x4000, s18  }
0x21: {  	v1 =	vor.u32 s3, v2;
	v2 =	vor.u32 s14, v2;
	s22 =	sadd.s32 $0x6000, s18;
	s23 =	sadd.s32 $0x8000, s18;
	s24 =	sadd.s32 $0xA000, s18  }
.LBB2_1:
0x22: {  	s12 =	rddreg [dreg:$0x4]  }
0x23: {  	[tilespmem:s2], [sflag:$0x1] =	stream.linear.gather [hbm4b:s12+s2], $0x3000, $0x38;
	[tilespmem:$0x1B700] =	vst v63  }
0x24: {  	_ =	swait.ge [sflag:s26], $0x3000  }
0x25: {  	[sflag:s26] =	ssyncset.done $0x0  }
0x26: {  	s17 =	rddreg [dreg:$0x5];
	[sflag:s26] =	ssyncadd.s32 $0xFFFFD000  }
0x27: {  	[tilespmem:s28], [sflag:$0x1] =	stream.linear.gather [hbm4b:s17+s2], $0x1000, $0x38;
	[tilespmem:$0x1B700] =	vst v63  }
0x28: {  	_ =	swait.ge [sflag:s26], $0x1000  }
0x29: {  	[sflag:s26] =	ssyncset.done $0x0  }
0x2a: {  	s13 =	rddreg [dreg:$0x6];
	[sflag:s26] =	ssyncadd.s32 $0xFFFFF000  }
0x2b: {  	[tilespmem:s29], [sflag:$0x1] =	stream.linear.gather [hbm4b:s13+s2], $0x300, $0x38;
	[tilespmem:$0x1B700] =	vst v63  }
0x2c: {  	_ =	swait.ge [sflag:s26], $0x300  }
0x2d: {  	[sflag:s26] =	ssyncset.done $0x0  }
0x2e: {  	s15 =	rddreg [dreg:$0x7];
	[sflag:s26] =	ssyncadd.s32 $0xFFFFFD00  }
0x2f: {  	[tilespmem:s30], [sflag:$0x1] =	stream.linear.gather [hbm4b:s15+s2], $0x10000, $0x38;
	[tilespmem:$0x1B700] =	vst v63  }
0x30: {  	_ =	swait.ge [sflag:s26], $0x10000  }
0x31: {  	[sflag:s26] =	ssyncset.done $0x0  }
0x32: {  	s16 =	rddreg [dreg:$0x8];
	[sflag:s26] =	ssyncadd.s32 $0xFFFF0000  }
0x33: {  	[tilespmem:s31], [sflag:$0x1] =	stream.linear.gather [hbm4b:s16+s2], $0x1000, $0x38;
	[tilespmem:$0x1B700] =	vst v63  }
0x34: {  	_ =	swait.ge [sflag:s26], $0x1000  }
0x35: {  	[sflag:s26] =	ssyncset.done $0x0  }
0x36: {  	s17 =	rddreg [dreg:$0x9];
	[sflag:s26] =	ssyncadd.s32 $0xFFFFF000  }
0x37: {  	[tilespmem:s0], [sflag:$0x1] =	stream.linear.gather [hbm4b:s17+s2], $0x300, $0x38;
	[tilespmem:$0x1B700] =	vst v63  }
0x38: {  	_ =	swait.ge [sflag:s26], $0x300  }
0x39: {  	[sflag:s26] =	ssyncset.done $0x0  }
0x3a: {  	s12 =	simm.s32 $0x15600;
	s13 =	simm.s32 $0x0;
	[sflag:s26] =	ssyncadd.s32 $0xFFFFFD00  }
.LBB2_2:
0x3b: {  	v3 =	vor.u32 s13, v0  }
0x3c: {  	v4 =	vand.u32 $0xF8, v3  }
0x3d: {  	v4 =	vor.u32 v4, v1;
	_ =	sdelay $0x4  }
0x3e: {  	v4 =	vld.idx.msk [tilespmem:v4+s28+$0x0], $0xffff;
	_ =	sdelay $0x2  }
0x3f: {  	v3 =	vmul.u32 $0x3, v3;
	_ =	sdelay $0x1  }
0x40: {  	v5 =	vadd.s32 $0x1, v3;
	v4 =	vmul.u32 $0x3, v4;
	_ =	sdelay $0x1  }
0x41: {  	v6 =	vadd.s32 $0x1, v4  }
0x42: {  	v7 =	vadd.s32 $0x2, v3  }
0x43: {  	v3 =	vld.idx.msk [tilespmem:v3+s0+$0x0], $0xffff;
	v8 =	vadd.s32 $0x2, v4  }
0x44: {  	v5 =	vld.idx.msk [tilespmem:v5+s0+$0x0], $0xffff  }
0x45: {  	v4 =	vld.idx.msk [tilespmem:v4+s29+$0x0], $0xffff  }
0x46: {  	v6 =	vld.idx.msk [tilespmem:v6+s29+$0x0], $0xffff  }
0x47: {  	v7 =	vld.idx.msk [tilespmem:v7+s0+$0x0], $0xffff  }
0x48: {  	v8 =	vld.idx.msk [tilespmem:v8+s29+$0x0], $0xffff;
	_ =	sdelay $0x2  }
0x49: {  	v3 =	vsub.f32 v3, v4;
	v58 =	vsub.f32 v5, v6;
	_ =	sdelay $0x1  }
0x4a: {  	v59 =	vsub.f32 v7, v8;
	v3 =	vmul.f32 v3, v3;
	v4 =	vmul.f32 v58, v58;
	_ =	sdelay $0x1  }
0x4b: {  	v60 =	vmul.f32 v59, v59;
	v3 =	vadd.f32 v4, v3;
	_ =	sdelay $0x1  }
0x4c: {  	v3 =	vadd.f32 v60, v3;
	_ =	sdelay $0x1  }
0x4d: {  	v3 =	vmax.f32 v3, $1.000000000e-30  }
0x4e: {  	v61 =	vshra.s32 v3, $0x1;
	v62 =	vmul.f32 $5.000000000e-01, v3  }
0x4f: {  	v4 =	vsub.s32 $0x5F3759DF, v61  }
0x50: {  	v63 =	vmul.f32 v4, v62;
	_ =	sdelay $0x1  }
0x51: {  	v6 =	vmul.f32 v4, v63;
	_ =	sdelay $0x1  }
0x52: {  	v6 =	vsub.f32 $1.500000000e+00, v6;
	_ =	sdelay $0x1  }
0x53: {  	v4 =	vmul.f32 v4, v6;
	_ =	sdelay $0x1  }
0x54: {  	v6 =	vmul.f32 v4, v62;
	_ =	sdelay $0x1  }
0x55: {  	v6 =	vmul.f32 v6, v4;
	_ =	sdelay $0x1  }
0x56: {  	v6 =	vsub.f32 $1.500000000e+00, v6;
	_ =	sdelay $0x1  }
0x57: {  	v4 =	vmul.f32 v6, v4;
	_ =	sdelay $0x1  }
0x58: {  	v5 =	vmul.f32 v4, v62;
	_ =	sdelay $0x1  }
0x59: {  	v5 =	vmul.f32 v5, v4;
	_ =	sdelay $0x1  }
0x5a: {  	v5 =	vsub.f32 $1.500000000e+00, v5  }
0x5b: {  	p0 =	sne.s32 s13, $0xF0  }
.Ltmp0:
0x5c: {  	v4 =	vmul.f32 v5, v4;
	(pc) =	sbr.rel @p0 .LBB2_2-.Ltmp0, $3  }
0x5d: {  	_ = 	snop  }
0x5e: {  	v3 =	vmul.f32 v4, v3;
	_ =	sdelay $0x1  }
0x5f: {  	s13 =	sadd.s32 $0x10, s13;
	[tilespmem:s12+$0x0] =	vst v3;
	s12 =	sadd.s32 $0x10, s12  }
0x60: {  	s12 =	simm.s32 $0x0  }
0x61: {  	s13 =	simm.s32 $0x2;
	s15 =	simm.s32 $0x15700;
	s16 =	simm.s32 $0x14600  }
.LBB2_4:
0x62: {  	v3 =	vld [tilespmem:s16+$0x0];
	_ =	sdelay $0x7  }
0x63: {  	v4 =	vld.idx.msk [tilespmem:v3+s28+$0x0], $0xffff;
	_ =	sdelay $0x2  }
0x64: {  	v3 =	vmul.u32 $0x3, v3;
	_ =	sdelay $0x1  }
0x65: {  	v5 =	vadd.s32 $0x1, v3;
	v6 =	vmul.u32 $0x3, v4;
	_ =	sdelay $0x1  }
0x66: {  	v7 =	vadd.s32 $0x1, v6  }
0x67: {  	v8 =	vadd.s32 $0x2, v3  }
0x68: {  	v3 =	vld.idx.msk [tilespmem:v3+s2+$0x0], $0xffff;
	v9 =	vadd.s32 $0x2, v6  }
0x69: {  	v5 =	vld.idx.msk [tilespmem:v5+s2+$0x0], $0xffff  }
0x6a: {  	v6 =	vld.idx.msk [tilespmem:v6+s29+$0x0], $0xffff  }
0x6b: {  	v7 =	vld.idx.msk [tilespmem:v7+s29+$0x0], $0xffff  }
0x6c: {  	v8 =	vld.idx.msk [tilespmem:v8+s2+$0x0], $0xffff  }
0x6d: {  	v9 =	vld.idx.msk [tilespmem:v9+s29+$0x0], $0xffff;
	_ =	sdelay $0x2  }
0x6e: {  	v6 =	vsub.f32 v3, v6;
	v7 =	vsub.f32 v5, v7;
	_ =	sdelay $0x1  }
0x6f: {  	v9 =	vsub.f32 v8, v9;
	v6 =	vmul.f32 v6, v6;
	v7 =	vmul.f32 v7, v7;
	_ =	sdelay $0x1  }
0x70: {  	v57 =	vmul.f32 v9, v9;
	v6 =	vadd.f32 v7, v6;
	_ =	sdelay $0x1  }
0x71: {  	v6 =	vadd.f32 v57, v6;
	_ =	sdelay $0x1  }
0x72: {  	v6 =	vmax.f32 v6, $1.000000000e-30  }
0x73: {  	v58 =	vshra.s32 v6, $0x1;
	v59 =	vmul.f32 $5.000000000e-01, v6  }
0x74: {  	v7 =	vsub.s32 $0x5F3759DF, v58  }
0x75: {  	s17 =	sadd.s32 s12, s3;
	v10 =	vmul.f32 v7, v59  }
0x76: {  	v11 =	vmov s17  }
0x77: {  	v10 =	vmul.f32 v7, v10;
	_ =	sdelay $0x1  }
0x78: {  	v10 =	vsub.f32 $1.500000000e+00, v10;
	_ =	sdelay $0x1  }
0x79: {  	v11 =	vld.idx.msk [tilespmem:v11+s28+$0x0], $0xffff;
	v7 =	vmul.f32 v7, v10;
	_ =	sdelay $0x1  }
0x7a: {  	v10 =	vmul.f32 v7, v59  }
0x7b: {  	s17 =	sadd.s32 $0xFFFFFFFE, s13  }
0x7c: {  	v60 =	vmov s13;
	v12 =	vmov s17;
	s17 =	sadd.s32 $0xFFFFFFFF, s13;
	v10 =	vmul.f32 v10, v7  }
0x7d: {  	v14 =	vmov s17;
	v11 =	vshll.u32 v11, $0x8;
	v13 =	vand.u32 $0xFFFFFFF8, v4  }
0x7e: {  	v4 =	vand.u32 $0x7, v4;
	v11 =	vadd.s32 v13, v11;
	v10 =	vsub.f32 $1.500000000e+00, v10  }
0x7f: {  	v4 =	vor.u32 v4, v11  }
0x80: {  	v61 =	vmov s12;
	v7 =	vmul.f32 v10, v7  }
0x81: {  	v62 =	vld.idx.msk [tilespmem:v12+s0+$0x0], $0xffff  }
0x82: {  	v63 =	vld.idx.msk [tilespmem:v14+s0+$0x0], $0xffff;
	v9 =	vmul.f32 v7, v59  }
0x83: {  	v13 =	vld.idx.msk [tilespmem:v60+s0+$0x0], $0xffff  }
0x84: {  	v4 =	vld.idx.msk [tilespmem:v4+s30+$0x0], $0xffff;
	v9 =	vmul.f32 v9, v7  }
0x85: {  	v10 =	vld.idx.msk [tilespmem:v61+s1+$0x0], $0xffff  }
0x86: {  	v9 =	vsub.f32 $1.500000000e+00, v9;
	_ =	sdelay $0x1  }
0x87: {  	v3 =	vsub.f32 v62, v3;
	v7 =	vmul.f32 v9, v7  }
0x88: {  	v5 =	vsub.f32 v63, v5;
	v8 =	vsub.f32 v13, v8  }
0x89: {  	v3 =	vand.u32 $0x7FFFFFFF, v3;
	v4 =	vadd.f32 v10, v4;
	v6 =	vmul.f32 v7, v6  }
0x8a: {  	p0 =	sne.s32 s13, $0x2FF;
	v5 =	vand.u32 $0x7FFFFFFF, v5;
	[tilespmem:s15+$0x0] =	vst v3  }
.Ltmp1:
0x8b: {  	v3 =	vand.u32 $0x7FFFFFFF, v8;
	[tilespmem:s15+$0x1000] =	vst v5;
	v4 =	vadd.f32 v6, v4;
	(pc) =	sbr.rel @p0 .LBB2_4-.Ltmp1, $4  }
0x8c: {  	[tilespmem:s15+$0x2000] =	vst v3  }
0x8d: {  	[tilespmem:s15+$0x3000] =	vst v4  }
0x8e: {  	s12 =	sadd.s32 $0x1, s12;
	[tilespmem:s15+$0x4000] =	vst v4  }
0x8f: {  	s16 =	sadd.s32 $0x10, s16;
	s13 =	sadd.s32 $0x3, s13;
	[tilespmem:s15+$0x5000] =	vst v4;
	s15 =	sadd.s32 $0x10, s15  }
0x90: {  	s12 =	simm.s32 $0x0  }
0x91: {  	[hbm4b:s10+s12] =	stream.linear.scatter [tilespmem:s4], [sflag:$0x1], $0x1000, $0x38;
	[tilespmem:$0x1B700] =	vst v63  }
0x92: {  	_ =	swait.ge [sflag:s26], $0x1000  }
0x93: {  	[sflag:s26] =	ssyncset.done $0x0  }
0x94: {  	s13 =	rddreg [dreg:$0xa];
	[sflag:s26] =	ssyncadd.s32 $0xFFFFF000  }
0x95: {  	[hbm4b:s13+s12] =	stream.linear.scatter [tilespmem:s5], [sflag:$0x1], $0x1000, $0x38;
	[tilespmem:$0x1B700] =	vst v63  }
0x96: {  	_ =	swait.ge [sflag:s26], $0x1000  }
0x97: {  	[sflag:s26] =	ssyncset.done $0x0  }
0x98: {  	s16 =	rddreg [dreg:$0xb];
	[sflag:s26] =	ssyncadd.s32 $0xFFFFF000  }
0x99: {  	[hbm4b:s16+s12] =	stream.linear.scatter [tilespmem:s6], [sflag:$0x1], $0x1000, $0x38;
	[tilespmem:$0x1B700] =	vst v63  }
0x9a: {  	_ =	swait.ge [sflag:s26], $0x1000  }
0x9b: {  	[sflag:s26] =	ssyncset.done $0x0  }
0x9c: {  	s17 =	rddreg [dreg:$0xc];
	[sflag:s26] =	ssyncadd.s32 $0xFFFFF000  }
0x9d: {  	[hbm4b:s17+s12] =	stream.linear.scatter [tilespmem:s7], [sflag:$0x1], $0x1000, $0x38;
	[tilespmem:$0x1B700] =	vst v63  }
0x9e: {  	_ =	swait.ge [sflag:s26], $0x1000  }
0x9f: {  	[sflag:s26] =	ssyncset.done $0x0  }
0xa0: {  	s15 =	rddreg [dreg:$0xd];
	[sflag:s26] =	ssyncadd.s32 $0xFFFFF000  }
0xa1: {  	[hbm4b:s15+s12] =	stream.linear.scatter [tilespmem:s8], [sflag:$0x1], $0x1000, $0x38;
	[tilespmem:$0x1B700] =	vst v63  }
0xa2: {  	_ =	swait.ge [sflag:s26], $0x1000  }
0xa3: {  	[sflag:s26] =	ssyncset.done $0x0  }
0xa4: {  	s16 =	rddreg [dreg:$0xe];
	[sflag:s26] =	ssyncadd.s32 $0xFFFFF000  }
0xa5: {  	[hbm4b:s16+s12] =	stream.linear.scatter [tilespmem:s9], [sflag:$0x1], $0x1000, $0x38;
	[tilespmem:$0x1B700] =	vst v63  }
0xa6: {  	_ =	swait.ge [sflag:s26], $0x1000  }
0xa7: {  	[sflag:s26] =	ssyncset.done $0x0  }
0xa8: {  	s17 =	rddreg [dreg:$0xf];
	[sflag:s26] =	ssyncadd.s32 $0xFFFFF000  }
0xa9: {  	[tilespmem:s31], [sflag:$0x1] =	stream.linear.gather [hbm4b:s17+s12], $0x1000, $0x38;
	[tilespmem:$0x1B700] =	vst v63  }
0xaa: {  	_ =	swait.ge [sflag:s26], $0x1000  }
0xab: {  	[sflag:s26] =	ssyncset.done $0x0  }
0xac: {  	[sflag:s26] =	ssyncadd.s32 $0xFFFFF000  }
0xad: {  	[tilespmem:s0], [sflag:$0x1] =	stream.linear.gather [hbm4b:s19+s12], $0x300, $0x38;
	[tilespmem:$0x1B700] =	vst v63  }
0xae: {  	_ =	swait.ge [sflag:s26], $0x300  }
0xaf: {  	[sflag:s26] =	ssyncset.done $0x0  }
0xb0: {  	s13 =	simm.s32 $0x15600;
	s15 =	simm.s32 $0x0;
	[sflag:s26] =	ssyncadd.s32 $0xFFFFFD00  }
.LBB2_6:
0xb1: {  	v3 =	vor.u32 s15, v0  }
0xb2: {  	v4 =	vand.u32 $0xF8, v3  }
0xb3: {  	v4 =	vor.u32 v4, v2;
	_ =	sdelay $0x4  }
0xb4: {  	v4 =	vld.idx.msk [tilespmem:v4+s28+$0x0], $0xffff;
	_ =	sdelay $0x2  }
0xb5: {  	v3 =	vmul.u32 $0x3, v3;
	_ =	sdelay $0x1  }
0xb6: {  	v5 =	vadd.s32 $0x1, v3;
	v4 =	vmul.u32 $0x3, v4;
	_ =	sdelay $0x1  }
0xb7: {  	v6 =	vadd.s32 $0x1, v4  }
0xb8: {  	v7 =	vadd.s32 $0x2, v3  }
0xb9: {  	v3 =	vld.idx.msk [tilespmem:v3+s0+$0x0], $0xffff;
	v8 =	vadd.s32 $0x2, v4  }
0xba: {  	v5 =	vld.idx.msk [tilespmem:v5+s0+$0x0], $0xffff  }
0xbb: {  	v4 =	vld.idx.msk [tilespmem:v4+s29+$0x0], $0xffff  }
0xbc: {  	v6 =	vld.idx.msk [tilespmem:v6+s29+$0x0], $0xffff  }
0xbd: {  	v7 =	vld.idx.msk [tilespmem:v7+s0+$0x0], $0xffff  }
0xbe: {  	v8 =	vld.idx.msk [tilespmem:v8+s29+$0x0], $0xffff;
	_ =	sdelay $0x2  }
0xbf: {  	v3 =	vsub.f32 v3, v4;
	v58 =	vsub.f32 v5, v6;
	_ =	sdelay $0x1  }
0xc0: {  	v59 =	vsub.f32 v7, v8;
	v3 =	vmul.f32 v3, v3;
	v4 =	vmul.f32 v58, v58;
	_ =	sdelay $0x1  }
0xc1: {  	v60 =	vmul.f32 v59, v59;
	v3 =	vadd.f32 v4, v3;
	_ =	sdelay $0x1  }
0xc2: {  	v3 =	vadd.f32 v60, v3;
	_ =	sdelay $0x1  }
0xc3: {  	v3 =	vmax.f32 v3, $1.000000000e-30  }
0xc4: {  	v61 =	vshra.s32 v3, $0x1;
	v62 =	vmul.f32 $5.000000000e-01, v3  }
0xc5: {  	v4 =	vsub.s32 $0x5F3759DF, v61  }
0xc6: {  	v63 =	vmul.f32 v4, v62;
	_ =	sdelay $0x1  }
0xc7: {  	v6 =	vmul.f32 v4, v63;
	_ =	sdelay $0x1  }
0xc8: {  	v6 =	vsub.f32 $1.500000000e+00, v6;
	_ =	sdelay $0x1  }
0xc9: {  	v4 =	vmul.f32 v4, v6;
	_ =	sdelay $0x1  }
0xca: {  	v6 =	vmul.f32 v4, v62;
	_ =	sdelay $0x1  }
0xcb: {  	v6 =	vmul.f32 v6, v4;
	_ =	sdelay $0x1  }
0xcc: {  	v6 =	vsub.f32 $1.500000000e+00, v6;
	_ =	sdelay $0x1  }
0xcd: {  	v4 =	vmul.f32 v6, v4;
	_ =	sdelay $0x1  }
0xce: {  	v5 =	vmul.f32 v4, v62;
	_ =	sdelay $0x1  }
0xcf: {  	v5 =	vmul.f32 v5, v4;
	_ =	sdelay $0x1  }
0xd0: {  	v5 =	vsub.f32 $1.500000000e+00, v5  }
0xd1: {  	p0 =	sne.s32 s15, $0xF0  }
.Ltmp2:
0xd2: {  	v4 =	vmul.f32 v5, v4;
	(pc) =	sbr.rel @p0 .LBB2_6-.Ltmp2, $3  }
0xd3: {  	_ = 	snop  }
0xd4: {  	v3 =	vmul.f32 v4, v3;
	_ =	sdelay $0x1  }
0xd5: {  	s15 =	sadd.s32 $0x10, s15;
	[tilespmem:s13+$0x0] =	vst v3;
	s13 =	sadd.s32 $0x10, s13  }
0xd6: {  	s13 =	simm.s32 $0x2;
	s15 =	simm.s32 $0x15700;
	s16 =	simm.s32 $0x14600  }
.LBB2_8:
0xd7: {  	v3 =	vld [tilespmem:s16+$0x0];
	_ =	sdelay $0x7  }
0xd8: {  	v4 =	vld.idx.msk [tilespmem:v3+s28+$0x0], $0xffff;
	_ =	sdelay $0x2  }
0xd9: {  	v3 =	vmul.u32 $0x3, v3;
	_ =	sdelay $0x1  }
0xda: {  	v5 =	vadd.s32 $0x1, v3;
	v6 =	vmul.u32 $0x3, v4;
	_ =	sdelay $0x1  }
0xdb: {  	v7 =	vadd.s32 $0x1, v6  }
0xdc: {  	v8 =	vadd.s32 $0x2, v3  }
0xdd: {  	v3 =	vld.idx.msk [tilespmem:v3+s2+$0x0], $0xffff;
	v9 =	vadd.s32 $0x2, v6  }
0xde: {  	v5 =	vld.idx.msk [tilespmem:v5+s2+$0x0], $0xffff  }
0xdf: {  	v6 =	vld.idx.msk [tilespmem:v6+s29+$0x0], $0xffff  }
0xe0: {  	v7 =	vld.idx.msk [tilespmem:v7+s29+$0x0], $0xffff  }
0xe1: {  	v8 =	vld.idx.msk [tilespmem:v8+s2+$0x0], $0xffff  }
0xe2: {  	v9 =	vld.idx.msk [tilespmem:v9+s29+$0x0], $0xffff;
	_ =	sdelay $0x2  }
0xe3: {  	v6 =	vsub.f32 v3, v6;
	v7 =	vsub.f32 v5, v7;
	_ =	sdelay $0x1  }
0xe4: {  	v9 =	vsub.f32 v8, v9;
	v6 =	vmul.f32 v6, v6;
	v7 =	vmul.f32 v7, v7;
	_ =	sdelay $0x1  }
0xe5: {  	v57 =	vmul.f32 v9, v9;
	v6 =	vadd.f32 v7, v6;
	_ =	sdelay $0x1  }
0xe6: {  	v6 =	vadd.f32 v57, v6;
	_ =	sdelay $0x1  }
0xe7: {  	v6 =	vmax.f32 v6, $1.000000000e-30  }
0xe8: {  	v58 =	vshra.s32 v6, $0x1;
	v59 =	vmul.f32 $5.000000000e-01, v6  }
0xe9: {  	v7 =	vsub.s32 $0x5F3759DF, v58  }
0xea: {  	s17 =	sadd.s32 s12, s14;
	v10 =	vmul.f32 v7, v59  }
0xeb: {  	v11 =	vmov s17  }
0xec: {  	v10 =	vmul.f32 v7, v10;
	_ =	sdelay $0x1  }
0xed: {  	v10 =	vsub.f32 $1.500000000e+00, v10;
	_ =	sdelay $0x1  }
0xee: {  	v11 =	vld.idx.msk [tilespmem:v11+s28+$0x0], $0xffff;
	v7 =	vmul.f32 v7, v10;
	_ =	sdelay $0x1  }
0xef: {  	v10 =	vmul.f32 v7, v59  }
0xf0: {  	s17 =	sadd.s32 $0xFFFFFFFE, s13  }
0xf1: {  	v60 =	vmov s13;
	v12 =	vmov s17;
	s17 =	sadd.s32 $0xFFFFFFFF, s13;
	v10 =	vmul.f32 v10, v7  }
0xf2: {  	v14 =	vmov s17;
	v11 =	vshll.u32 v11, $0x8;
	v13 =	vand.u32 $0xFFFFFFF8, v4  }
0xf3: {  	v4 =	vand.u32 $0x7, v4;
	v11 =	vadd.s32 v13, v11;
	v10 =	vsub.f32 $1.500000000e+00, v10  }
0xf4: {  	v4 =	vor.u32 v4, v11  }
0xf5: {  	v61 =	vmov s12;
	v7 =	vmul.f32 v10, v7  }
0xf6: {  	v62 =	vld.idx.msk [tilespmem:v12+s0+$0x0], $0xffff  }
0xf7: {  	v63 =	vld.idx.msk [tilespmem:v14+s0+$0x0], $0xffff;
	v9 =	vmul.f32 v7, v59  }
0xf8: {  	v13 =	vld.idx.msk [tilespmem:v60+s0+$0x0], $0xffff  }
0xf9: {  	v4 =	vld.idx.msk [tilespmem:v4+s30+$0x0], $0xffff;
	v9 =	vmul.f32 v9, v7  }
0xfa: {  	v10 =	vld.idx.msk [tilespmem:v61+s1+$0x0], $0xffff  }
0xfb: {  	v9 =	vsub.f32 $1.500000000e+00, v9;
	_ =	sdelay $0x1  }
0xfc: {  	v3 =	vsub.f32 v62, v3;
	v7 =	vmul.f32 v9, v7  }
0xfd: {  	v5 =	vsub.f32 v63, v5;
	v8 =	vsub.f32 v13, v8  }
0xfe: {  	v3 =	vand.u32 $0x7FFFFFFF, v3;
	v4 =	vadd.f32 v10, v4;
	v6 =	vmul.f32 v7, v6  }
0xff: {  	p0 =	sne.s32 s13, $0x2FF;
	v5 =	vand.u32 $0x7FFFFFFF, v5;
	[tilespmem:s15+$0x0] =	vst v3  }
.Ltmp3:
0x100: {  	v3 =	vand.u32 $0x7FFFFFFF, v8;
	[tilespmem:s15+$0x1000] =	vst v5;
	v4 =	vadd.f32 v6, v4;
	(pc) =	sbr.rel @p0 .LBB2_8-.Ltmp3, $4  }
0x101: {  	[tilespmem:s15+$0x2000] =	vst v3  }
0x102: {  	[tilespmem:s15+$0x3000] =	vst v4  }
0x103: {  	s12 =	sadd.s32 $0x1, s12;
	[tilespmem:s15+$0x4000] =	vst v4  }
0x104: {  	s16 =	sadd.s32 $0x10, s16;
	s13 =	sadd.s32 $0x3, s13;
	[tilespmem:s15+$0x5000] =	vst v4;
	s15 =	sadd.s32 $0x10, s15  }
0x105: {  	[hbm4b:s18+s2] =	stream.linear.scatter [tilespmem:s4], [sflag:$0x1], $0x1000, $0x38;
	[tilespmem:$0x1B700] =	vst v63  }
0x106: {  	_ =	swait.ge [sflag:s26], $0x1000  }
0x107: {  	[sflag:s26] =	ssyncset.done $0x0  }
0x108: {  	[sflag:s26] =	ssyncadd.s32 $0xFFFFF000  }
0x109: {  	[hbm4b:s20+s2] =	stream.linear.scatter [tilespmem:s5], [sflag:$0x1], $0x1000, $0x38;
	[tilespmem:$0x1B700] =	vst v63  }
0x10a: {  	_ =	swait.ge [sflag:s26], $0x1000  }
0x10b: {  	[sflag:s26] =	ssyncset.done $0x0  }
0x10c: {  	[sflag:s26] =	ssyncadd.s32 $0xFFFFF000  }
0x10d: {  	[hbm4b:s21+s2] =	stream.linear.scatter [tilespmem:s6], [sflag:$0x1], $0x1000, $0x38;
	[tilespmem:$0x1B700] =	vst v63  }
0x10e: {  	_ =	swait.ge [sflag:s26], $0x1000  }
0x10f: {  	[sflag:s26] =	ssyncset.done $0x0  }
0x110: {  	[sflag:s26] =	ssyncadd.s32 $0xFFFFF000  }
0x111: {  	[hbm4b:s22+s2] =	stream.linear.scatter [tilespmem:s7], [sflag:$0x1], $0x1000, $0x38;
	[tilespmem:$0x1B700] =	vst v63  }
0x112: {  	_ =	swait.ge [sflag:s26], $0x1000  }
0x113: {  	[sflag:s26] =	ssyncset.done $0x0  }
0x114: {  	[sflag:s26] =	ssyncadd.s32 $0xFFFFF000  }
0x115: {  	[hbm4b:s23+s2] =	stream.linear.scatter [tilespmem:s8], [sflag:$0x1], $0x1000, $0x38;
	[tilespmem:$0x1B700] =	vst v63  }
0x116: {  	s11 =	sadd.s32 $0x1, s11;
	_ =	swait.ge [sflag:s26], $0x1000  }
0x117: {  	p0 =	sne.s32 s11, s25;
	[sflag:s26] =	ssyncset.done $0x0  }
.Ltmp4:
0x118: {  	[sflag:s26] =	ssyncadd.s32 $0xFFFFF000;
	(pc) =	sbr.rel @p0 .LBB2_1-.Ltmp4, $4  }
0x119: {  	[hbm4b:s24+s2] =	stream.linear.scatter [tilespmem:s9], [sflag:$0x1], $0x1000, $0x38;
	[tilespmem:$0x1B700] =	vst v63  }
0x11a: {  	_ =	swait.ge [sflag:s26], $0x1000  }
0x11b: {  	[sflag:s26] =	ssyncset.done $0x0  }
0x11c: {  	[sflag:s26] =	ssyncadd.s32 $0xFFFFF000  }
0x11d: {  	_ =	sfence.sel $0x180000  }
0x11e: {  	[bflag:$0x0] =	sbarrier.arrive $0xFFFF  }
0x11f: {  	_ =	strace $0x90000047  }
0x120: {  	s0 =	stileid.u32;
	[bflag:$0x2] =	sbarrier.arrive $0xFFFF  }
0x121: {  	p0 =	sne.s32 s0, $0x0;
	s0 =	rddreg [dreg:$0x3]  }
0x122: {  	s0 =	sadd.s32 @!p0 $0x100000, s0  }
0x123: {  	[sflag:s0] =	ssyncadd.tile.s32 @!p0 $0x1;
	_ =	shalt  }
.Lfunc_end2:
_tile_overlayer_lowered:
.L_overlay_start_2:
0x124: {  	(tag) =	ssettag $0x2  }
0x125: {  	s0 =	rddreg [dreg:$0x0];
	s2 =	stileid.u32  }
0x126: {  	s1 =	rddreg [dreg:$0x1];
	p0 =	sne.s32 s2, $0x0  }
0x127: {  	s3 =	rddreg [dreg:$0x2];
	[bflag:$0x3] =	sbarrier.arrive $0xFFFF;
	s2 =	simm.s32 @!p0 $0x1C01  }
0x128: {  	[timem:s3], [sflag:s2] =	dma.local @!p0 [hbm:s0], s1  }
0x129: {  	s0 =	simm.s32 @!p0 $0x1  }
0x12a: {  	_ =	swait.ge @!p0 [sflag:s0], s1  }
0x12b: {  	s1 =	ssub.s32 @!p0 $0x0, s1;
	[sflag:s0] =	ssyncset.done @!p0 $0x0  }
0x12c: {  	[sflag:s0] =	ssyncadd.s32 @!p0 s1  }
0x12d: {  	[bflag:$0x3] =	sbarrier.arrive $0xFFFF  }
0x12e: {  	_ =	shalt  }

// kernel: sparse-core-data-format-call.cloned.1.call-start
scs
called_computation_lowered:
.L_overlay_start_0:
0x0: {  	s2 =	sld [smem:$0x3FD9]  }
0x1: {  	s3 =	sld [smem:$0x3FFE];
	_ =	sdelay $0x1  }
0x2: {  	s1 =	srdreg.scid  }
0x3: {  	s0 =	sand.u32 $0x1, s1  }
0x4: {  	s15 =	sshll.u32 s0, $0xA;
	s2 =	sadd.s32 s3, s2  }
0x5: {  	s2 =	sadd.s32 s2, s15  }
0x6: {  	[smem:$0x3FC0] =	sst s2  }
0x7: {  	_ = 	snop  }
0x8: {  	s2 =	sld [smem:$0x3FD0];
	_ =	sdelay $0x2  }
0x9: {  	s16 =	simm.s32 $0xA;
	s4 =	simm.s32 $0x10  }
0xa: {  	[smem:s4], [sflag:s16] =	dma.local [hbm:s2], $0x1  }
0xb: {  	_ =	swait.eq [sflag:s16], $0x1  }
0xc: {  	[sflag:s16] =	ssyncset.done $0x0  }
0xd: {  	[sflag:s16] =	ssyncadd.s32 $0xFFFFFFFF  }
0xe: {  	s17 =	sld [smem:$0x11];
	(tm) =	ssettm $0x1  }
0xf: {  	s18 =	sld [smem:$0x3FFB];
	_ =	sdelay $0x3  }
0x10: {  	_ =	strace s18  }
0x11: {  	s3 =	sld [smem:$0x3FFC];
	_ =	sdelay $0x3  }
0x12: {  	_ =	strace s3  }
0x13: {  	s3 =	sld [smem:$0x3FFD];
	_ =	sdelay $0x3  }
0x14: {  	_ =	strace s3  }
0x15: {  	_ =	strace $0x8FFFFFFF  }
0x16: {  	s19 =	sld [smem:$0x3FDB];
	_ =	sdelay $0x1  }
0x17: {  	s20 =	simm.s32 $_scs_section_size  }
0x18: {  	s5 =	simm.s32 $_size__tile_overlayer_lowered;
	s6 =	simm.s32 $_tile_overlayer_lowered  }
0x19: {  	s23 =	simm.s32 $0x1BFF;
	s22 =	sshll.u32 s6, $0x1;
	s3 =	sadd.s32 s20, s19  }
0x1a: {  	s7 =	simm.s32 $0x0;
	s21 =	sshll.u32 s5, $0x1;
	s5 =	sadd.s32 s22, s3  }
0x1b: {  	[timem:s7], [sflag:s23] =	dma.local [hbm:s5], s21  }
0x1c: {  	_ =	swait.ge [sflag:s23], s21  }
0x1d: {  	s4 =	ssub.s32 $0x0, s21;
	[sflag:s23] =	ssyncset.done $0x0  }
0x1e: {  	[sflag:s23] =	ssyncadd.s32 s4;
	_ =	sdelay $0x1  }
0x1f: {  	s24 =	simm.s32 $0x1B8B  }
0x20: {  	_ =	swait.ge [sflag:s24], $0x1  }
0x21: {  	[sflag:s24] =	ssyncset.done $0x0  }
0x22: {  	s26 =	simm.s32 $0x1B8E;
	s25 =	sld [smem:$0x3FFE];
	[sflag:s24] =	ssyncadd.s32 $0xFFFFFFFF  }
0x23: {  	s27 =	simm.s32 $execute0_lowered;
	[smem:$0x3FD2] =	sst s26  }
0x24: {  	s5 =	sshll.u32 s27, $0x1;
	_ =	strace $0x80000049;
	[dreg:$0x1] =	wrdreg $0xFFFFFFFF  }
0x25: {  	s28 =	simm.s32 $_size_execute0_lowered;
	s3 =	sadd.s32 s3, s5;
	[dreg:$0x0] =	wrdreg $0x0  }
0x26: {  	s5 =	sshll.u32 s28, $0x1;
	[dreg:$0x2] =	wrdreg s3  }
0x27: {  	[dreg:$0x3] =	wrdreg s5  }
0x28: {  	[dreg:$0x4] =	wrdreg $0xC0  }
0x29: {  	_ =	task [dreg:s7], $0x5FFFF  }
0x2a: {  	[dreg:$0x1] =	wrdreg $0xFFFFFFFF  }
0x2b: {  	[dreg:$0x0] =	wrdreg $0x60  }
0x2c: {  	[dreg:$0x2] =	wrdreg s25  }
0x2d: {  	[dreg:$0x3] =	wrdreg s17  }
0x2e: {  	[dreg:$0x4] =	wrdreg $0x9  }
0x2f: {  	_ =	task.clear_ibuf [dreg:s7], $0x5FFFF;
	_ =	strace $0x90000049  }
0x30: {  	s29 =	simm.s32 $0x9;
	_ =	strace $0x8000004B  }
0x31: {  	_ =	swait.ge [sflag:s29], $0x1  }
0x32: {  	[sflag:s29] =	ssyncadd.s32 $0xFFFFFFFF  }
0x33: {  	_ =	strace $0x9000004B  }
0x34: {  	_ =	sfence  }
0x35: {  	s30 =	sld [smem:$0x0];
	_ =	sdelay $0x2  }
0x36: {  	s31 =	sshll.u32 s1, $0xD;
	s1 =	sshrl.u32 s1, $0x2  }
0x37: {  	s3 =	sand.u32 $0x4000, s31;
	s1 =	sadd.s32 s1, s30  }
0x38: {  	s0 =	sor.u32 s3, s0;
	s1 =	sshll.u32 s1, $0x11  }
0x39: {  	s0 =	sor.u32 s1, s0  }
0x3a: {  	s0 =	sadd.s32 $0x8F2B, s0  }
0x3b: {  	[sflag:s0] =	ssyncadd.remote.s32 $0x1  }
0x3c: {  	_ =	sfence.sel $0xFFFF  }
0x3d: {  	[dreg:$0x0] =	wrdreg $0xFFFFFFFF;
	(pc) =	sbr.abs _section_cstart, $3  }
0x3e: {  	[dreg:$0x1] =	wrdreg $0xFFFFFFFF  }
0x3f: {  	_ =	task.clear_ibuf [dreg:s7], $0x2FFFF;
	_ =	strace $0x9FFFFFFF  }
0x40: {  	(tm) =	ssettm $0x7FFFFFFF  }
0x41: {  	_ =	shalt  }
tec
execute0_lowered:
.L_overlay_start_1:
0x0: {  	(tag) =	ssettag $0x1  }
0x1: {  	s0 =	stileid.u32;
	s4 =	rddreg [dreg:$0x0]  }
0x2: {  	s1 =	srdreg.scid;
	s3 =	rddreg [dreg:$0x1];
	s7 =	simm.s32 $0x1  }
0x3: {  	s31 =	simm.s32 $0x2;
	s2 =	sshll.u32 s0, $0x5;
	s1 =	sshll.u32 s1, $0x9  }
0x4: {  	s16 =	simm.s32 $0x0;
	s9 =	simm.s32 $0x10000;
	s1 =	sor.u32 s2, s1  }
0x5: {  	s14 =	simm.s32 $0x0;
	s15 =	simm.s32 $0x0;
	s2 =	sand.u32 $0x380, s1  }
0x6: {  	s10 =	simm.s32 $0x0;
	s13 =	simm.s32 $0x0;
	s5 =	ssub.s32 $0x1000, s2  }
0x7: {  	s4 =	sadd.s32 $0x1C00, s4;
	s1 =	rddreg [dreg:$0x2];
	s6 =	sand.u32 $0x380, s5  }
.Ltmp0:
0x8: {  	_ =	strace $0x8000004A;
	p0 =	sne.s32 s6, $0x0;
	(pc) =	sbr.rel .LBB1_1-.Ltmp0, $4  }
0x9: {  	s11 =	smov.u32 s2;
	s8 =	sshrl.u32 s5, $0xA;
	s7 =	simm.s32 @!p0 $0x0  }
0xa: {  	s5 =	sand.u32 $0x3, s0;
	s6 =	simm.s32 $0x1;
	s7 =	sadd.s32 s7, s8  }
0xb: {  	s12 =	smov.u32 s5;
	[sflag:s6] =	ssyncpa.u1 $0x0;
	s7 =	sshll.u32 s7, $0x4  }
0xc: {  	p0 =	por $0x0, $0x0;
	[sflag:s31] =	ssyncpa.u1 $0x0;
	s8 =	sor.u32 $0x1, s7  }
.LBB1_4:
0xd: {  	v5 =	vld [tilespmem:s19+$0xFFFFFFD0];
	[tilespmem:s20+$0x2040 ss:$0x81] =	vst.msk $0xffff, v1  }
0xe: {  	v58 =	vld [tilespmem:s19+$0xFFFFFFE0];
	[tilespmem:s20+$0x2850 ss:$0x81] =	vst.msk $0xffff, v2  }
0xf: {  	s21 =	sshra.s32 s21, $0x2;
	v59 =	vld [tilespmem:s19+$0xFFFFFFF0];
	[tilespmem:s20+$0x3060 ss:$0x81] =	vst.msk $0xffff, v3  }
0x10: {  	v60 =	vld [tilespmem:s19+$0x0];
	[tilespmem:s20+$0x0 ss:$0x81] =	vst.msk $0xffff, v0;
	s18 =	sadd.s32 s21, s18  }
0x11: {  	v61 =	vld [tilespmem:s19+$0x10];
	s26 =	sshll.u32 s16, $0xC;
	[tilespmem:s18+$0x3870 ss:$0x81] =	vst.msk $0xffff, v4  }
0x12: {  	v62 =	vld [tilespmem:s19+$0x20];
	s27 =	sand.u32 $0x78, s14;
	s22 =	sshll.u32 s14, $0x3;
	s29 =	sshll.u32 s16, $0x7;
	[tilespmem:s18+$0x810 ss:$0x81] =	vst.msk $0xffff, v5  }
0x13: {  	v63 =	vld [tilespmem:s19+$0xFFFFFFC0];
	s15 =	sshll.u32 s15, $0x14;
	s20 =	sand.u32 $0x8000, s26;
	s28 =	sand.u32 $0xFC00, s22;
	[tilespmem:s18+$0x1020 ss:$0x81] =	vst.msk $0xffff, v58  }
0x14: {  	s31 =	sand.u32 $0x7, s14;
	s22 =	sand.u32 $0xC00, s22;
	s19 =	sadd.s32 s28, s20;
	[tilespmem:s18+$0x1830 ss:$0x81] =	vst.msk $0xffff, v59  }
0x15: {  	s16 =	sand.u32 $0x380, s29;
	s30 =	sor.u32 s27, s22;
	s19 =	sshrl.u32 s19, $0x3;
	[tilespmem:s18+$0x2040 ss:$0x81] =	vst.msk $0xffff, v60  }
0x16: {  	s15 =	sadd.s32 s3, s15;
	s16 =	sor.u32 s16, s30;
	s19 =	sand.u32 $0x1E00, s19;
	[tilespmem:s18+$0x2850 ss:$0x81] =	vst.msk $0xffff, v61  }
0x17: {  	s14 =	sshll.u32 s31, $0x12;
	s16 =	sshrl.u32 s16, $0x3;
	[tilespmem:s18+$0x3060 ss:$0x81] =	vst.msk $0xffff, v62;
	s15 =	sadd.s32 s19, s15  }
0x18: {  	s14 =	sor.u32 $0x80, s14;
	[tilespmem:s18+$0x0 ss:$0x81] =	vst.msk $0xffff, v63;
	s15 =	sadd.s32 s16, s15  }
0x19: {  	[hbm4b:s15+s14] =	stream.strided.scatter [tilespmem:s17], [sflag:$0x2], $0x4000, s9, s14, $0x20;
	[tilespmem:$0x10100] =	vst v63  }
.LBB1_5:
0x1a: {  	s17 =	sadd.s32 $0x1, s10  }
0x1b: {  	s14 =	sadd.s32 $0x400, s11;
	s18 =	smov.u32 s11;
	p2 =	sgt.s32 s17, $0xF  }
0x1c: {  	s18 =	smov.u32 @p2 s14  }
0x1d: {  	s20 =	smov.u32 s12;
	s14 =	sadd.s32 $0x4, s12;
	p3 =	sgt.s32 s18, $0xFFF  }
0x1e: {  	s20 =	smov.u32 @p3 s14  }
0x1f: {  	s17 =	simm.s32 @p2 $0x0;
	p2 =	sgt.s32 s20, $0x3  }
0x20: {  	p1 =	slt.u32 s13, $0x2;
	s20 =	smov.u32 @p2 s5;
	p2 =	sne.s32 s13, s8  }
.Ltmp1:
0x21: {  	s19 =	simm.s32 @!p1 $0x2;
	(pc) =	sbr.rel @!p2 .LBB1_6-.Ltmp1, $4  }
0x22: {  	s16 =	smov.u32 s10;
	s15 =	smov.u32 s12;
	_ =	swait.ge @!p1 [sflag:s19], $0x4000  }
0x23: {  	p0 =	por !p0, !p0;
	[sflag:s19] =	ssyncset.done @!p1 $0x0;
	s10 =	smov.u32 s17  }
0x24: {  	s18 =	smov.u32 @p3 s2;
	s14 =	smov.u32 s11;
	[sflag:s19] =	ssyncadd.s32 @!p1 $0xFFFFC000  }
0x25: {  	s11 =	smov.u32 s18;
	s13 =	sadd.s32 $0x1, s13;
	s12 =	smov.u32 s20  }
.LBB1_1:
0x26: {  	p1 =	sge.u32 s13, s7;
	s31 =	sadd.s32 $0xFFFFFFFF, s13  }
0x27: {  	s17 =	sxor.u32 @!p1 $0xFFFFFFFF, s13;
	s18 =	sshll.u32 @!p1 s12, $0x14;
	s19 =	sshll.u32 @!p1 s11, $0x8  }
0x28: {  	s20 =	sshll.u32 @!p1 s10, $0x4;
	s17 =	sshll.u32 @!p1 s17, $0xE;
	s18 =	sadd.s32 @!p1 s4, s18  }
0x29: {  	s20 =	sand.u32 @!p1 $0xF0, s20;
	s17 =	sand.u32 @!p1 $0x4000, s17;
	s18 =	sadd.s32 @!p1 s19, s18  }
0x2a: {  	s19 =	simm.s32 @!p1 $0x80;
	s18 =	sadd.s32 @!p1 s20, s18;
	s20 =	simm.s32 @!p1 $0x800  }
0x2b: {  	[tilespmem:s17], [sflag:$0x1] =	stream.strided.gather @!p1 [hbm4b:s18+s19], $0x4000, s20, s19, $0x38;
	[tilespmem:$0x10100] =	vst v63  }
0x2c: {  	p1 =	sge.u32 s31, s7  }
.Ltmp2:
0x2d: {  	_ = 	snop;
	(pc) =	sbr.rel @p1 .LBB1_5-.Ltmp2, $1  }
0x2e: {  	_ =	sdelay $0x3  }
0x2f: {  	s17 =	simm.s32 $0x1  }
0x30: {  	_ =	swait.ge [sflag:s6], $0x4000;
	s17 =	simm.s32 @!p0 $0x0  }
0x31: {  	[sflag:s6] =	ssyncset.done $0x0;
	s18 =	sshll.u32 s17, $0xE  }
0x32: {  	[sflag:s6] =	ssyncadd.s32 $0xFFFFC000;
	s19 =	sor.u32 $0x40, s18  }
0x33: {  	s17 =	smul.u32 $0x10200, s17;
	v0 =	vld [tilespmem:s19+$0x30]  }
0x34: {  	v3 =	vld [tilespmem:s19+$0xFFFFFFD0]  }
0x35: {  	s17 =	sshrl.u32 s17, $0x2;
	v4 =	vld [tilespmem:s19+$0xFFFFFFE0]  }
0x36: {  	v5 =	vld [tilespmem:s19+$0xFFFFFFF0];
	s18 =	sor.u32 $0x8000, s17  }
0x37: {  	s31 =	sand.u32 $0x1, s13;
	v1 =	vld [tilespmem:s19+$0x0];
	s20 =	sadd.s32 $0x0, s18  }
0x38: {  	v2 =	vld [tilespmem:s19+$0x10];
	s17 =	smul.u32 $0x10200, s31;
	[tilespmem:s20+$0x3870 ss:$0x81] =	vst.msk $0xffff, v0  }
0x39: {  	[tilespmem:s20+$0x810 ss:$0x81] =	vst.msk $0xffff, v3;
	v3 =	vld [tilespmem:s19+$0x20]  }
0x3a: {  	s17 =	sshrl.u32 s17, $0x2;
	v0 =	vld [tilespmem:s19+$0xFFFFFFC0];
	[tilespmem:s20+$0x1020 ss:$0x81] =	vst.msk $0xffff, v4;
	s19 =	sadd.s32 $0x80, s19  }
0x3b: {  	s21 =	simm.s32 $0x4;
	s22 =	simm.s32 $0x8;
	s17 =	sor.u32 $0x8000, s17;
	[tilespmem:s20+$0x1830 ss:$0x81] =	vst.msk $0xffff, v5;
	v4 =	vld [tilespmem:s19+$0x30]  }
.LBB1_3:
0x3c: {  	p1 =	sne.s32 s22, $0x1FC;
	v5 =	vld [tilespmem:s19+$0xFFFFFFD0];
	[tilespmem:s20+$0x2040 ss:$0x81] =	vst.msk $0xffff, v1  }
0x3d: {  	v6 =	vld [tilespmem:s19+$0xFFFFFFE0];
	[tilespmem:s20+$0x2850 ss:$0x81] =	vst.msk $0xffff, v2  }
0x3e: {  	s23 =	sshra.s32 s21, $0x2;
	s21 =	smov.u32 s22;
	v7 =	vld [tilespmem:s19+$0xFFFFFFF0];
	[tilespmem:s20+$0x3060 ss:$0x81] =	vst.msk $0xffff, v3  }
.Ltmp3:
0x3f: {  	v1 =	vld [tilespmem:s19+$0x0];
	[tilespmem:s20+$0x0 ss:$0x81] =	vst.msk $0xffff, v0;
	s20 =	sadd.s32 s23, s18;
	(pc) =	sbr.rel @p1 .LBB1_3-.Ltmp3, $4  }
0x40: {  	v2 =	vld [tilespmem:s19+$0x10];
	[tilespmem:s20+$0x3870 ss:$0x81] =	vst.msk $0xffff, v4  }
0x41: {  	[tilespmem:s20+$0x810 ss:$0x81] =	vst.msk $0xffff, v5;
	v3 =	vld [tilespmem:s19+$0x20]  }
0x42: {  	v0 =	vld [tilespmem:s19+$0xFFFFFFC0];
	[tilespmem:s20+$0x1020 ss:$0x81] =	vst.msk $0xffff, v6;
	s19 =	sadd.s32 $0x80, s19  }
0x43: {  	s22 =	sadd.s32 $0x4, s22;
	v4 =	vld [tilespmem:s19+$0x30];
	[tilespmem:s20+$0x1830 ss:$0x81] =	vst.msk $0xffff, v7  }
.Ltmp4:
0x44: {  	_ = 	snop;
	(pc) =	sbr.rel .LBB1_4-.Ltmp4, $1  }
0x45: {  	_ =	sdelay $0x3  }
.LBB1_6:
0x46: {  	_ =	sfence.sel $0x180000  }
0x47: {  	s2 =	simm.s32 $0x1;
	[bflag:$0x0] =	sbarrier.arrive $0xFFFF  }
0x48: {  	s31 =	simm.s32 $0x2;
	[sflag:s2] =	ssyncpa.u1 $0x1  }
0x49: {  	[sflag:s31] =	ssyncpa.u1 $0x1  }
0x4a: {  	p0 =	sne.s32 s0, $0x0;
	_ =	strace $0x9000004A  }
0x4b: {  	s0 =	sadd.s32 @!p0 $0x100000, s1;
	[bflag:$0x2] =	sbarrier.arrive $0xFFFF  }
0x4c: {  	[sflag:s0] =	ssyncadd.tile.s32 @!p0 $0x1;
	_ =	shalt  }
.Lfunc_end1:
_tile_overlayer_lowered:
.L_overlay_start_2:
0x4d: {  	(tag) =	ssettag $0x2  }
0x4e: {  	s0 =	rddreg [dreg:$0x0];
	s2 =	stileid.u32  }
0x4f: {  	s1 =	rddreg [dreg:$0x1];
	p0 =	sne.s32 s2, $0x0  }
0x50: {  	s3 =	rddreg [dreg:$0x2];
	[bflag:$0x3] =	sbarrier.arrive $0xFFFF;
	s2 =	simm.s32 @!p0 $0x1C01  }
0x51: {  	[timem:s3], [sflag:s2] =	dma.local @!p0 [hbm:s0], s1  }
0x52: {  	s0 =	simm.s32 @!p0 $0x1  }
0x53: {  	_ =	swait.ge @!p0 [sflag:s0], s1  }
0x54: {  	s1 =	ssub.s32 @!p0 $0x0, s1;
	[sflag:s0] =	ssyncset.done @!p0 $0x0  }
0x55: {  	[sflag:s0] =	ssyncadd.s32 @!p0 s1  }
0x56: {  	[bflag:$0x3] =	sbarrier.arrive $0xFFFF  }
0x57: {  	_ =	shalt  }

</sc_bundles>
